<compile_context>
chip_gen: v7x
topology: tpu7x:2x2x1
jax: 0.10.2.dev20260603
libtpu: 0.0.44.dev20260713+nightly
codegen_flags: <defaults>
</compile_context>

<pallas_src>
import functools

import jax
import jax.numpy as jnp
from jax import lax
from jax.experimental import pallas as pl
from jax.experimental.pallas import tpu as pltpu
from jax.experimental.pallas import tpu_sc as plsc

MAX_POSITION = 8192
EMBED_DIM = 1024
BATCH = 4
SEQ_LEN = 8192

_INFO = plsc.get_sparse_core_info()
_NC = _INFO.num_cores
_NS = _INFO.num_subcores
_NW = _NC * _NS

_B = BATCH * SEQ_LEN
_SPLIT = 24576
_B_PER_W = _SPLIT // _NW
_CHUNK = 8
_NBUF = 8
_LAG = 2
_N_CHUNKS = _B_PER_W // _CHUNK


def _gather_body(idx_hbm, table_hbm, out_hbm, idx_v, *scratch):
    wid = lax.axis_index("s") * _NC + lax.axis_index("c")
    base = wid * _B_PER_W
    pltpu.sync_copy(idx_hbm.at[pl.ds(base, _B_PER_W)], idx_v)

    rows = scratch[:_NBUF]
    gsem = scratch[_NBUF:2 * _NBUF]
    ssem = scratch[2 * _NBUF:]

    def gather_copy(i, buf):
        off = pl.multiple_of(i * _CHUNK, _CHUNK)
        return pltpu.make_async_copy(
            table_hbm.at[idx_v.at[pl.ds(off, _CHUNK)]], rows[buf], gsem[buf]
        )

    def store_copy(i, buf):
        off = pl.multiple_of(i * _CHUNK, _CHUNK)
        return pltpu.make_async_copy(
            rows[buf], out_hbm.at[pl.ds(base + off, _CHUNK)], ssem[buf]
        )

    def a_step(i, b):
        gather_copy(i, b).wait()
        store_copy(i, b).start()

    def b_step(i, b):
        store_copy(i, b).wait()
        gather_copy(i + _NBUF, b).start()

    for b in range(_NBUF):
        gather_copy(b, b).start()

    for b in range(_NBUF):
        a_step(b, b)
        if b >= _LAG:
            b_step(b - _LAG, b - _LAG)

    def group(g, _):
        cb = g * _NBUF
        for b in range(_NBUF):
            a_step(cb + b, b)
            k = cb + b - _LAG

            @pl.when(k + _NBUF < _N_CHUNKS)
            def _(k=k, b=b):
                b_step(k, (b - _LAG) % _NBUF)
        return 0

    lax.fori_loop(1, _N_CHUNKS // _NBUF, group, 0)
    for b in range(_NBUF):
        store_copy(_N_CHUNKS - _NBUF + b, b).wait()


@jax.jit
def _embed_gather(position_ids_flat, table):
    mesh = plsc.VectorSubcoreMesh(core_axis_name="c", subcore_axis_name="s")
    kern = functools.partial(
        pl.kernel,
        mesh=mesh,
        out_type=jax.ShapeDtypeStruct((_SPLIT, EMBED_DIM), jnp.float32),
        scratch_types=(
            [pltpu.VMEM((_B_PER_W,), jnp.int32)]
            + [pltpu.VMEM((_CHUNK, EMBED_DIM), jnp.float32) for _ in range(_NBUF)]
            + [pltpu.SemaphoreType.DMA for _ in range(2 * _NBUF)]
        ),
    )(_gather_body)
    return kern(position_ids_flat, table)


def kernel(position_ids, table):
    flat = position_ids.reshape(-1).astype(jnp.int32)
    sc_out = _embed_gather(flat[:_SPLIT], table)
    tc_out = jnp.take(table, flat[_SPLIT:], axis=0)
    out = jnp.concatenate([sc_out, tc_out], axis=0)
    return out.reshape(BATCH, SEQ_LEN, EMBED_DIM)

# --- scband reference (transcript-rebuilt; emitter-appended) ---
"""Pipeline reference for scband-position-embedding-33036888441207 (READ-ONLY COPY).

The authoritative reference and input builder live on the scoring server;
editing this copy changes nothing except your own understanding.
"""

import jax, jax.numpy as jnp
import numpy as np

MAX_POSITION = 8192
EMBED_DIM = 1024
BATCH = 4
SEQ_LEN = 8192


def setup_inputs(seed: int = 0) -> dict:
    key = jax.random.key(seed)
    k_idx, k_tab = jax.random.split(key)
    position_ids = jax.random.randint(k_idx, (BATCH, SEQ_LEN), 0, MAX_POSITION, dtype=jnp.int64 if jax.config.jax_enable_x64 else jnp.int32)
    # Learned embedding table (torch init is zeros; use small random values so the
    # gather is numerically nontrivial while keeping the same math).
    table = jax.random.normal(k_tab, (MAX_POSITION, EMBED_DIM), dtype=jnp.float32) * 0.02
    return {"position_ids": position_ids, "table": table}


def reference(position_ids, table):
    # nn.Embedding forward: row gather from the table.
    return jnp.take(table, position_ids, axis=0)

if __name__ == "__main__":
    import jax
    _d = setup_inputs()
    print(jax.jit(kernel)(*tuple(_d.values())))

</pallas_src>

<mosaic_0001>
#map = affine_map<(d0, d1) -> (0)>
#map1 = affine_map<(d0, d1) -> (0, 0)>
module attributes {stable_mosaic.version = 14 : i64} {
  func.func @_gather_body(%arg0: i32, %arg1: i32, %arg2: memref<24576xi32, #tpu.memory_space<hbm>>, %arg3: memref<8192x1024xf32, #tpu.memory_space<hbm>>, %arg4: memref<24576x1024xf32, #tpu.memory_space<hbm>>, %arg5: memref<768xi32, #tpu.memory_space<vmem>>, %arg6: memref<8x1024xf32, #tpu.memory_space<vmem>>, %arg7: memref<8x1024xf32, #tpu.memory_space<vmem>>, %arg8: memref<8x1024xf32, #tpu.memory_space<vmem>>, %arg9: memref<8x1024xf32, #tpu.memory_space<vmem>>, %arg10: memref<8x1024xf32, #tpu.memory_space<vmem>>, %arg11: memref<8x1024xf32, #tpu.memory_space<vmem>>, %arg12: memref<8x1024xf32, #tpu.memory_space<vmem>>, %arg13: memref<8x1024xf32, #tpu.memory_space<vmem>>, %arg14: memref<!tpu.dma_semaphore, #tpu.memory_space<semaphore_mem>>, %arg15: memref<!tpu.dma_semaphore, #tpu.memory_space<semaphore_mem>>, %arg16: memref<!tpu.dma_semaphore, #tpu.memory_space<semaphore_mem>>, %arg17: memref<!tpu.dma_semaphore, #tpu.memory_space<semaphore_mem>>, %arg18: memref<!tpu.dma_semaphore, #tpu.memory_space<semaphore_mem>>, %arg19: memref<!tpu.dma_semaphore, #tpu.memory_space<semaphore_mem>>, %arg20: memref<!tpu.dma_semaphore, #tpu.memory_space<semaphore_mem>>, %arg21: memref<!tpu.dma_semaphore, #tpu.memory_space<semaphore_mem>>, %arg22: memref<!tpu.dma_semaphore, #tpu.memory_space<semaphore_mem>>, %arg23: memref<!tpu.dma_semaphore, #tpu.memory_space<semaphore_mem>>, %arg24: memref<!tpu.dma_semaphore, #tpu.memory_space<semaphore_mem>>, %arg25: memref<!tpu.dma_semaphore, #tpu.memory_space<semaphore_mem>>, %arg26: memref<!tpu.dma_semaphore, #tpu.memory_space<semaphore_mem>>, %arg27: memref<!tpu.dma_semaphore, #tpu.memory_space<semaphore_mem>>, %arg28: memref<!tpu.dma_semaphore, #tpu.memory_space<semaphore_mem>>, %arg29: memref<!tpu.dma_semaphore, #tpu.memory_space<semaphore_mem>>) attributes {dimension_semantics = [#tpu.dimension_semantics<core_parallel>, #tpu.dimension_semantics<subcore_parallel>], iteration_bounds = array<i64: 2, 16>, scalar_prefetch = 0 : i64, scratch_operands = 25 : i64, tpu.core_type = #tpu.core_type<sc_vector_subcore>, window_params = [{transform_indices = #map}, {transform_indices = #map1}, {transform_indices = #map1}]} {
    %mul3A = arith.constant 2 : i32
    %mul3A_0 = arith.muli %arg1, %mul3A : i32
    %add3A = arith.addi %mul3A_0, %arg0 : i32
    %mul3A_1 = arith.constant 768 : i32
    %mul3A_2 = arith.muli %add3A, %mul3A_1 : i32
    "tpu.region"() ({
      %run_scoped3A = tpu.sem_alloc : memref<!tpu.dma_semaphore, #tpu.memory_space<semaphore_mem>>
      %dma_start3A_292 = tpu.memref_slice %arg2[%mul3A_2] : memref<24576xi32, #tpu.memory_space<hbm>> -> memref<768xi32, #tpu.memory_space<hbm>>
      %dma_start3A_293 = tpu.memref_slice %arg2[%mul3A_2] : memref<24576xi32, #tpu.memory_space<hbm>> -> memref<768xi32, #tpu.memory_space<hbm>>
      tpu.enqueue_dma source(%dma_start3A_293 : memref<768xi32, #tpu.memory_space<hbm>>) target(%arg5 : memref<768xi32, #tpu.memory_space<vmem>>) target_semaphore(%run_scoped3A : memref<!tpu.dma_semaphore, #tpu.memory_space<semaphore_mem>>)
      %dma_wait3A_294 = tpu.memref_slice %arg2[%mul3A_2] : memref<24576xi32, #tpu.memory_space<hbm>> -> memref<768xi32, #tpu.memory_space<hbm>>
      %dma_wait3A_295 = tpu.memref_slice %arg2[%mul3A_2] : memref<24576xi32, #tpu.memory_space<hbm>> -> memref<768xi32, #tpu.memory_space<hbm>>
      tpu.wait_dma2 semaphore(%run_scoped3A : memref<!tpu.dma_semaphore, #tpu.memory_space<semaphore_mem>>) src(%dma_wait3A_295 : memref<768xi32, #tpu.memory_space<hbm>>) dst(%arg5 : memref<768xi32, #tpu.memory_space<vmem>>)
      tpu.yield
    }) : () -> ()
    %multiple_of3A = arith.constant 0 : i32
    %multiple_of3A_3 = tpu.assume_multiple %multiple_of3A, 8 : i32
    %dma_start3A = tpu.memref_slice %arg5[%multiple_of3A_3] : memref<768xi32, #tpu.memory_space<vmem>> -> memref<8xi32, #tpu.memory_space<vmem>>
    %dma_start3A_4 = arith.constant 0 : i32
    %dma_start3A_5 = arith.constant 0 : i32
    %dma_start3A_6 = tpu.memref_slice %arg3[%dma_start3A_4, %dma_start3A_5] : memref<8192x1024xf32, #tpu.memory_space<hbm>> -> memref<8192x1024xf32, #tpu.memory_space<hbm>>
    tpu.enqueue_indirect_dma source(%dma_start3A_6 : memref<8192x1024xf32, #tpu.memory_space<hbm>>) target(%arg6 : memref<8x1024xf32, #tpu.memory_space<vmem>>) offsets(%dma_start3A : memref<8xi32, #tpu.memory_space<vmem>>) semaphore(%arg14 : memref<!tpu.dma_semaphore, #tpu.memory_space<semaphore_mem>>)
    %multiple_of3A_7 = arith.constant 8 : i32
    %multiple_of3A_8 = tpu.assume_multiple %multiple_of3A_7, 8 : i32
    %dma_start3A_9 = tpu.memref_slice %arg5[%multiple_of3A_8] : memref<768xi32, #tpu.memory_space<vmem>> -> memref<8xi32, #tpu.memory_space<vmem>>
    %dma_start3A_10 = arith.constant 0 : i32
    %dma_start3A_11 = arith.constant 0 : i32
    %dma_start3A_12 = tpu.memref_slice %arg3[%dma_start3A_10, %dma_start3A_11] : memref<8192x1024xf32, #tpu.memory_space<hbm>> -> memref<8192x1024xf32, #tpu.memory_space<hbm>>
    tpu.enqueue_indirect_dma source(%dma_start3A_12 : memref<8192x1024xf32, #tpu.memory_space<hbm>>) target(%arg7 : memref<8x1024xf32, #tpu.memory_space<vmem>>) offsets(%dma_start3A_9 : memref<8xi32, #tpu.memory_space<vmem>>) semaphore(%arg15 : memref<!tpu.dma_semaphore, #tpu.memory_space<semaphore_mem>>)
    %multiple_of3A_13 = arith.constant 16 : i32
    %multiple_of3A_14 = tpu.assume_multiple %multiple_of3A_13, 8 : i32
    %dma_start3A_15 = tpu.memref_slice %arg5[%multiple_of3A_14] : memref<768xi32, #tpu.memory_space<vmem>> -> memref<8xi32, #tpu.memory_space<vmem>>
    %dma_start3A_16 = arith.constant 0 : i32
    %dma_start3A_17 = arith.constant 0 : i32
    %dma_start3A_18 = tpu.memref_slice %arg3[%dma_start3A_16, %dma_start3A_17] : memref<8192x1024xf32, #tpu.memory_space<hbm>> -> memref<8192x1024xf32, #tpu.memory_space<hbm>>
    tpu.enqueue_indirect_dma source(%dma_start3A_18 : memref<8192x1024xf32, #tpu.memory_space<hbm>>) target(%arg8 : memref<8x1024xf32, #tpu.memory_space<vmem>>) offsets(%dma_start3A_15 : memref<8xi32, #tpu.memory_space<vmem>>) semaphore(%arg16 : memref<!tpu.dma_semaphore, #tpu.memory_space<semaphore_mem>>)
    %multiple_of3A_19 = arith.constant 24 : i32
    %multiple_of3A_20 = tpu.assume_multiple %multiple_of3A_19, 8 : i32
    %dma_start3A_21 = tpu.memref_slice %arg5[%multiple_of3A_20] : memref<768xi32, #tpu.memory_space<vmem>> -> memref<8xi32, #tpu.memory_space<vmem>>
    %dma_start3A_22 = arith.constant 0 : i32
    %dma_start3A_23 = arith.constant 0 : i32
    %dma_start3A_24 = tpu.memref_slice %arg3[%dma_start3A_22, %dma_start3A_23] : memref<8192x1024xf32, #tpu.memory_space<hbm>> -> memref<8192x1024xf32, #tpu.memory_space<hbm>>
    tpu.enqueue_indirect_dma source(%dma_start3A_24 : memref<8192x1024xf32, #tpu.memory_space<hbm>>) target(%arg9 : memref<8x1024xf32, #tpu.memory_space<vmem>>) offsets(%dma_start3A_21 : memref<8xi32, #tpu.memory_space<vmem>>) semaphore(%arg17 : memref<!tpu.dma_semaphore, #tpu.memory_space<semaphore_mem>>)
    %multiple_of3A_25 = arith.constant 32 : i32
    %multiple_of3A_26 = tpu.assume_multiple %multiple_of3A_25, 8 : i32
    %dma_start3A_27 = tpu.memref_slice %arg5[%multiple_of3A_26] : memref<768xi32, #tpu.memory_space<vmem>> -> memref<8xi32, #tpu.memory_space<vmem>>
    %dma_start3A_28 = arith.constant 0 : i32
    %dma_start3A_29 = arith.constant 0 : i32
    %dma_start3A_30 = tpu.memref_slice %arg3[%dma_start3A_28, %dma_start3A_29] : memref<8192x1024xf32, #tpu.memory_space<hbm>> -> memref<8192x1024xf32, #tpu.memory_space<hbm>>
    tpu.enqueue_indirect_dma source(%dma_start3A_30 : memref<8192x1024xf32, #tpu.memory_space<hbm>>) target(%arg10 : memref<8x1024xf32, #tpu.memory_space<vmem>>) offsets(%dma_start3A_27 : memref<8xi32, #tpu.memory_space<vmem>>) semaphore(%arg18 : memref<!tpu.dma_semaphore, #tpu.memory_space<semaphore_mem>>)
    %multiple_of3A_31 = arith.constant 40 : i32
    %multiple_of3A_32 = tpu.assume_multiple %multiple_of3A_31, 8 : i32
    %dma_start3A_33 = tpu.memref_slice %arg5[%multiple_of3A_32] : memref<768xi32, #tpu.memory_space<vmem>> -> memref<8xi32, #tpu.memory_space<vmem>>
    %dma_start3A_34 = arith.constant 0 : i32
    %dma_start3A_35 = arith.constant 0 : i32
    %dma_start3A_36 = tpu.memref_slice %arg3[%dma_start3A_34, %dma_start3A_35] : memref<8192x1024xf32, #tpu.memory_space<hbm>> -> memref<8192x1024xf32, #tpu.memory_space<hbm>>
    tpu.enqueue_indirect_dma source(%dma_start3A_36 : memref<8192x1024xf32, #tpu.memory_space<hbm>>) target(%arg11 : memref<8x1024xf32, #tpu.memory_space<vmem>>) offsets(%dma_start3A_33 : memref<8xi32, #tpu.memory_space<vmem>>) semaphore(%arg19 : memref<!tpu.dma_semaphore, #tpu.memory_space<semaphore_mem>>)
    %multiple_of3A_37 = arith.constant 48 : i32
    %multiple_of3A_38 = tpu.assume_multiple %multiple_of3A_37, 8 : i32
    %dma_start3A_39 = tpu.memref_slice %arg5[%multiple_of3A_38] : memref<768xi32, #tpu.memory_space<vmem>> -> memref<8xi32, #tpu.memory_space<vmem>>
    %dma_start3A_40 = arith.constant 0 : i32
    %dma_start3A_41 = arith.constant 0 : i32
    %dma_start3A_42 = tpu.memref_slice %arg3[%dma_start3A_40, %dma_start3A_41] : memref<8192x1024xf32, #tpu.memory_space<hbm>> -> memref<8192x1024xf32, #tpu.memory_space<hbm>>
    tpu.enqueue_indirect_dma source(%dma_start3A_42 : memref<8192x1024xf32, #tpu.memory_space<hbm>>) target(%arg12 : memref<8x1024xf32, #tpu.memory_space<vmem>>) offsets(%dma_start3A_39 : memref<8xi32, #tpu.memory_space<vmem>>) semaphore(%arg20 : memref<!tpu.dma_semaphore, #tpu.memory_space<semaphore_mem>>)
    %multiple_of3A_43 = arith.constant 56 : i32
    %multiple_of3A_44 = tpu.assume_multiple %multiple_of3A_43, 8 : i32
    %dma_start3A_45 = tpu.memref_slice %arg5[%multiple_of3A_44] : memref<768xi32, #tpu.memory_space<vmem>> -> memref<8xi32, #tpu.memory_space<vmem>>
    %dma_start3A_46 = arith.constant 0 : i32
    %dma_start3A_47 = arith.constant 0 : i32
    %dma_start3A_48 = tpu.memref_slice %arg3[%dma_start3A_46, %dma_start3A_47] : memref<8192x1024xf32, #tpu.memory_space<hbm>> -> memref<8192x1024xf32, #tpu.memory_space<hbm>>
    tpu.enqueue_indirect_dma source(%dma_start3A_48 : memref<8192x1024xf32, #tpu.memory_space<hbm>>) target(%arg13 : memref<8x1024xf32, #tpu.memory_space<vmem>>) offsets(%dma_start3A_45 : memref<8xi32, #tpu.memory_space<vmem>>) semaphore(%arg21 : memref<!tpu.dma_semaphore, #tpu.memory_space<semaphore_mem>>)
    %multiple_of3A_49 = arith.constant 0 : i32
    %multiple_of3A_50 = tpu.assume_multiple %multiple_of3A_49, 8 : i32
    %dma_wait3A = tpu.memref_slice %arg5[%multiple_of3A_50] : memref<768xi32, #tpu.memory_space<vmem>> -> memref<8xi32, #tpu.memory_space<vmem>>
    %dma_wait3A_51 = arith.constant 0 : i32
    %dma_wait3A_52 = arith.constant 0 : i32
    %dma_wait3A_53 = tpu.memref_slice %arg3[%dma_wait3A_51, %dma_wait3A_52] : memref<8192x1024xf32, #tpu.memory_space<hbm>> -> memref<8192x1024xf32, #tpu.memory_space<hbm>>
    tpu.wait_indirect_dma semaphore(%arg14 : memref<!tpu.dma_semaphore, #tpu.memory_space<semaphore_mem>>) src(%dma_wait3A_53 : memref<8192x1024xf32, #tpu.memory_space<hbm>>) dst(%arg6 : memref<8x1024xf32, #tpu.memory_space<vmem>>)
    %multiple_of3A_54 = arith.constant 0 : i32
    %multiple_of3A_55 = tpu.assume_multiple %multiple_of3A_54, 8 : i32
    %add3A_56 = arith.addi %mul3A_2, %multiple_of3A_55 : i32
    %dma_start3A_57 = arith.constant 0 : i32
    %dma_start3A_58 = tpu.memref_slice %arg4[%add3A_56, %dma_start3A_57] : memref<24576x1024xf32, #tpu.memory_space<hbm>> -> memref<8x1024xf32, #tpu.memory_space<hbm>>
    %dma_start3A_59 = arith.constant 0 : i32
    %dma_start3A_60 = tpu.memref_slice %arg4[%add3A_56, %dma_start3A_59] : memref<24576x1024xf32, #tpu.memory_space<hbm>> -> memref<8x1024xf32, #tpu.memory_space<hbm>>
    tpu.enqueue_dma source(%arg6 : memref<8x1024xf32, #tpu.memory_space<vmem>>) target(%dma_start3A_60 : memref<8x1024xf32, #tpu.memory_space<hbm>>) target_semaphore(%arg22 : memref<!tpu.dma_semaphore, #tpu.memory_space<semaphore_mem>>)
    %multiple_of3A_61 = arith.constant 8 : i32
    %multiple_of3A_62 = tpu.assume_multiple %multiple_of3A_61, 8 : i32
    %dma_wait3A_63 = tpu.memref_slice %arg5[%multiple_of3A_62] : memref<768xi32, #tpu.memory_space<vmem>> -> memref<8xi32, #tpu.memory_space<vmem>>
    %dma_wait3A_64 = arith.constant 0 : i32
    %dma_wait3A_65 = arith.constant 0 : i32
    %dma_wait3A_66 = tpu.memref_slice %arg3[%dma_wait3A_64, %dma_wait3A_65] : memref<8192x1024xf32, #tpu.memory_space<hbm>> -> memref<8192x1024xf32, #tpu.memory_space<hbm>>
    tpu.wait_indirect_dma semaphore(%arg15 : memref<!tpu.dma_semaphore, #tpu.memory_space<semaphore_mem>>) src(%dma_wait3A_66 : memref<8192x1024xf32, #tpu.memory_space<hbm>>) dst(%arg7 : memref<8x1024xf32, #tpu.memory_space<vmem>>)
    %multiple_of3A_67 = arith.constant 8 : i32
    %multiple_of3A_68 = tpu.assume_multiple %multiple_of3A_67, 8 : i32
    %add3A_69 = arith.addi %mul3A_2, %multiple_of3A_68 : i32
    %dma_start3A_70 = arith.constant 0 : i32
    %dma_start3A_71 = tpu.memref_slice %arg4[%add3A_69, %dma_start3A_70] : memref<24576x1024xf32, #tpu.memory_space<hbm>> -> memref<8x1024xf32, #tpu.memory_space<hbm>>
    %dma_start3A_72 = arith.constant 0 : i32
    %dma_start3A_73 = tpu.memref_slice %arg4[%add3A_69, %dma_start3A_72] : memref<24576x1024xf32, #tpu.memory_space<hbm>> -> memref<8x1024xf32, #tpu.memory_space<hbm>>
    tpu.enqueue_dma source(%arg7 : memref<8x1024xf32, #tpu.memory_space<vmem>>) target(%dma_start3A_73 : memref<8x1024xf32, #tpu.memory_space<hbm>>) target_semaphore(%arg23 : memref<!tpu.dma_semaphore, #tpu.memory_space<semaphore_mem>>)
    %multiple_of3A_74 = arith.constant 16 : i32
    %multiple_of3A_75 = tpu.assume_multiple %multiple_of3A_74, 8 : i32
    %dma_wait3A_76 = tpu.memref_slice %arg5[%multiple_of3A_75] : memref<768xi32, #tpu.memory_space<vmem>> -> memref<8xi32, #tpu.memory_space<vmem>>
    %dma_wait3A_77 = arith.constant 0 : i32
    %dma_wait3A_78 = arith.constant 0 : i32
    %dma_wait3A_79 = tpu.memref_slice %arg3[%dma_wait3A_77, %dma_wait3A_78] : memref<8192x1024xf32, #tpu.memory_space<hbm>> -> memref<8192x1024xf32, #tpu.memory_space<hbm>>
    tpu.wait_indirect_dma semaphore(%arg16 : memref<!tpu.dma_semaphore, #tpu.memory_space<semaphore_mem>>) src(%dma_wait3A_79 : memref<8192x1024xf32, #tpu.memory_space<hbm>>) dst(%arg8 : memref<8x1024xf32, #tpu.memory_space<vmem>>)
    %multiple_of3A_80 = arith.constant 16 : i32
    %multiple_of3A_81 = tpu.assume_multiple %multiple_of3A_80, 8 : i32
    %add3A_82 = arith.addi %mul3A_2, %multiple_of3A_81 : i32
    %dma_start3A_83 = arith.constant 0 : i32
    %dma_start3A_84 = tpu.memref_slice %arg4[%add3A_82, %dma_start3A_83] : memref<24576x1024xf32, #tpu.memory_space<hbm>> -> memref<8x1024xf32, #tpu.memory_space<hbm>>
    %dma_start3A_85 = arith.constant 0 : i32
    %dma_start3A_86 = tpu.memref_slice %arg4[%add3A_82, %dma_start3A_85] : memref<24576x1024xf32, #tpu.memory_space<hbm>> -> memref<8x1024xf32, #tpu.memory_space<hbm>>
    tpu.enqueue_dma source(%arg8 : memref<8x1024xf32, #tpu.memory_space<vmem>>) target(%dma_start3A_86 : memref<8x1024xf32, #tpu.memory_space<hbm>>) target_semaphore(%arg24 : memref<!tpu.dma_semaphore, #tpu.memory_space<semaphore_mem>>)
    %multiple_of3A_87 = arith.constant 0 : i32
    %multiple_of3A_88 = tpu.assume_multiple %multiple_of3A_87, 8 : i32
    %add3A_89 = arith.addi %mul3A_2, %multiple_of3A_88 : i32
    %dma_wait3A_90 = arith.constant 0 : i32
    %dma_wait3A_91 = tpu.memref_slice %arg4[%add3A_89, %dma_wait3A_90] : memref<24576x1024xf32, #tpu.memory_space<hbm>> -> memref<8x1024xf32, #tpu.memory_space<hbm>>
    %dma_wait3A_92 = arith.constant 0 : i32
    %dma_wait3A_93 = tpu.memref_slice %arg4[%add3A_89, %dma_wait3A_92] : memref<24576x1024xf32, #tpu.memory_space<hbm>> -> memref<8x1024xf32, #tpu.memory_space<hbm>>
    tpu.wait_dma2 semaphore(%arg22 : memref<!tpu.dma_semaphore, #tpu.memory_space<semaphore_mem>>) src(%arg6 : memref<8x1024xf32, #tpu.memory_space<vmem>>) dst(%dma_wait3A_93 : memref<8x1024xf32, #tpu.memory_space<hbm>>)
    %multiple_of3A_94 = arith.constant 64 : i32
    %multiple_of3A_95 = tpu.assume_multiple %multiple_of3A_94, 8 : i32
    %dma_start3A_96 = tpu.memref_slice %arg5[%multiple_of3A_95] : memref<768xi32, #tpu.memory_space<vmem>> -> memref<8xi32, #tpu.memory_space<vmem>>
    %dma_start3A_97 = arith.constant 0 : i32
    %dma_start3A_98 = arith.constant 0 : i32
    %dma_start3A_99 = tpu.memref_slice %arg3[%dma_start3A_97, %dma_start3A_98] : memref<8192x1024xf32, #tpu.memory_space<hbm>> -> memref<8192x1024xf32, #tpu.memory_space<hbm>>
    tpu.enqueue_indirect_dma source(%dma_start3A_99 : memref<8192x1024xf32, #tpu.memory_space<hbm>>) target(%arg6 : memref<8x1024xf32, #tpu.memory_space<vmem>>) offsets(%dma_start3A_96 : memref<8xi32, #tpu.memory_space<vmem>>) semaphore(%arg14 : memref<!tpu.dma_semaphore, #tpu.memory_space<semaphore_mem>>)
    %multiple_of3A_100 = arith.constant 24 : i32
    %multiple_of3A_101 = tpu.assume_multiple %multiple_of3A_100, 8 : i32
    %dma_wait3A_102 = tpu.memref_slice %arg5[%multiple_of3A_101] : memref<768xi32, #tpu.memory_space<vmem>> -> memref<8xi32, #tpu.memory_space<vmem>>
    %dma_wait3A_103 = arith.constant 0 : i32
    %dma_wait3A_104 = arith.constant 0 : i32
    %dma_wait3A_105 = tpu.memref_slice %arg3[%dma_wait3A_103, %dma_wait3A_104] : memref<8192x1024xf32, #tpu.memory_space<hbm>> -> memref<8192x1024xf32, #tpu.memory_space<hbm>>
    tpu.wait_indirect_dma semaphore(%arg17 : memref<!tpu.dma_semaphore, #tpu.memory_space<semaphore_mem>>) src(%dma_wait3A_105 : memref<8192x1024xf32, #tpu.memory_space<hbm>>) dst(%arg9 : memref<8x1024xf32, #tpu.memory_space<vmem>>)
    %multiple_of3A_106 = arith.constant 24 : i32
    %multiple_of3A_107 = tpu.assume_multiple %multiple_of3A_106, 8 : i32
    %add3A_108 = arith.addi %mul3A_2, %multiple_of3A_107 : i32
    %dma_start3A_109 = arith.constant 0 : i32
    %dma_start3A_110 = tpu.memref_slice %arg4[%add3A_108, %dma_start3A_109] : memref<24576x1024xf32, #tpu.memory_space<hbm>> -> memref<8x1024xf32, #tpu.memory_space<hbm>>
    %dma_start3A_111 = arith.constant 0 : i32
    %dma_start3A_112 = tpu.memref_slice %arg4[%add3A_108, %dma_start3A_111] : memref<24576x1024xf32, #tpu.memory_space<hbm>> -> memref<8x1024xf32, #tpu.memory_space<hbm>>
    tpu.enqueue_dma source(%arg9 : memref<8x1024xf32, #tpu.memory_space<vmem>>) target(%dma_start3A_112 : memref<8x1024xf32, #tpu.memory_space<hbm>>) target_semaphore(%arg25 : memref<!tpu.dma_semaphore, #tpu.memory_space<semaphore_mem>>)
    %multiple_of3A_113 = arith.constant 8 : i32
    %multiple_of3A_114 = tpu.assume_multiple %multiple_of3A_113, 8 : i32
    %add3A_115 = arith.addi %mul3A_2, %multiple_of3A_114 : i32
    %dma_wait3A_116 = arith.constant 0 : i32
    %dma_wait3A_117 = tpu.memref_slice %arg4[%add3A_115, %dma_wait3A_116] : memref<24576x1024xf32, #tpu.memory_space<hbm>> -> memref<8x1024xf32, #tpu.memory_space<hbm>>
    %dma_wait3A_118 = arith.constant 0 : i32
    %dma_wait3A_119 = tpu.memref_slice %arg4[%add3A_115, %dma_wait3A_118] : memref<24576x1024xf32, #tpu.memory_space<hbm>> -> memref<8x1024xf32, #tpu.memory_space<hbm>>
    tpu.wait_dma2 semaphore(%arg23 : memref<!tpu.dma_semaphore, #tpu.memory_space<semaphore_mem>>) src(%arg7 : memref<8x1024xf32, #tpu.memory_space<vmem>>) dst(%dma_wait3A_119 : memref<8x1024xf32, #tpu.memory_space<hbm>>)
    %multiple_of3A_120 = arith.constant 72 : i32
    %multiple_of3A_121 = tpu.assume_multiple %multiple_of3A_120, 8 : i32
    %dma_start3A_122 = tpu.memref_slice %arg5[%multiple_of3A_121] : memref<768xi32, #tpu.memory_space<vmem>> -> memref<8xi32, #tpu.memory_space<vmem>>
    %dma_start3A_123 = arith.constant 0 : i32
    %dma_start3A_124 = arith.constant 0 : i32
    %dma_start3A_125 = tpu.memref_slice %arg3[%dma_start3A_123, %dma_start3A_124] : memref<8192x1024xf32, #tpu.memory_space<hbm>> -> memref<8192x1024xf32, #tpu.memory_space<hbm>>
    tpu.enqueue_indirect_dma source(%dma_start3A_125 : memref<8192x1024xf32, #tpu.memory_space<hbm>>) target(%arg7 : memref<8x1024xf32, #tpu.memory_space<vmem>>) offsets(%dma_start3A_122 : memref<8xi32, #tpu.memory_space<vmem>>) semaphore(%arg15 : memref<!tpu.dma_semaphore, #tpu.memory_space<semaphore_mem>>)
    %multiple_of3A_126 = arith.constant 32 : i32
    %multiple_of3A_127 = tpu.assume_multiple %multiple_of3A_126, 8 : i32
    %dma_wait3A_128 = tpu.memref_slice %arg5[%multiple_of3A_127] : memref<768xi32, #tpu.memory_space<vmem>> -> memref<8xi32, #tpu.memory_space<vmem>>
    %dma_wait3A_129 = arith.constant 0 : i32
    %dma_wait3A_130 = arith.constant 0 : i32
    %dma_wait3A_131 = tpu.memref_slice %arg3[%dma_wait3A_129, %dma_wait3A_130] : memref<8192x1024xf32, #tpu.memory_space<hbm>> -> memref<8192x1024xf32, #tpu.memory_space<hbm>>
    tpu.wait_indirect_dma semaphore(%arg18 : memref<!tpu.dma_semaphore, #tpu.memory_space<semaphore_mem>>) src(%dma_wait3A_131 : memref<8192x1024xf32, #tpu.memory_space<hbm>>) dst(%arg10 : memref<8x1024xf32, #tpu.memory_space<vmem>>)
    %multiple_of3A_132 = arith.constant 32 : i32
    %multiple_of3A_133 = tpu.assume_multiple %multiple_of3A_132, 8 : i32
    %add3A_134 = arith.addi %mul3A_2, %multiple_of3A_133 : i32
    %dma_start3A_135 = arith.constant 0 : i32
    %dma_start3A_136 = tpu.memref_slice %arg4[%add3A_134, %dma_start3A_135] : memref<24576x1024xf32, #tpu.memory_space<hbm>> -> memref<8x1024xf32, #tpu.memory_space<hbm>>
    %dma_start3A_137 = arith.constant 0 : i32
    %dma_start3A_138 = tpu.memref_slice %arg4[%add3A_134, %dma_start3A_137] : memref<24576x1024xf32, #tpu.memory_space<hbm>> -> memref<8x1024xf32, #tpu.memory_space<hbm>>
    tpu.enqueue_dma source(%arg10 : memref<8x1024xf32, #tpu.memory_space<vmem>>) target(%dma_start3A_138 : memref<8x1024xf32, #tpu.memory_space<hbm>>) target_semaphore(%arg26 : memref<!tpu.dma_semaphore, #tpu.memory_space<semaphore_mem>>)
    %multiple_of3A_139 = arith.constant 16 : i32
    %multiple_of3A_140 = tpu.assume_multiple %multiple_of3A_139, 8 : i32
    %add3A_141 = arith.addi %mul3A_2, %multiple_of3A_140 : i32
    %dma_wait3A_142 = arith.constant 0 : i32
    %dma_wait3A_143 = tpu.memref_slice %arg4[%add3A_141, %dma_wait3A_142] : memref<24576x1024xf32, #tpu.memory_space<hbm>> -> memref<8x1024xf32, #tpu.memory_space<hbm>>
    %dma_wait3A_144 = arith.constant 0 : i32
    %dma_wait3A_145 = tpu.memref_slice %arg4[%add3A_141, %dma_wait3A_144] : memref<24576x1024xf32, #tpu.memory_space<hbm>> -> memref<8x1024xf32, #tpu.memory_space<hbm>>
    tpu.wait_dma2 semaphore(%arg24 : memref<!tpu.dma_semaphore, #tpu.memory_space<semaphore_mem>>) src(%arg8 : memref<8x1024xf32, #tpu.memory_space<vmem>>) dst(%dma_wait3A_145 : memref<8x1024xf32, #tpu.memory_space<hbm>>)
    %multiple_of3A_146 = arith.constant 80 : i32
    %multiple_of3A_147 = tpu.assume_multiple %multiple_of3A_146, 8 : i32
    %dma_start3A_148 = tpu.memref_slice %arg5[%multiple_of3A_147] : memref<768xi32, #tpu.memory_space<vmem>> -> memref<8xi32, #tpu.memory_space<vmem>>
    %dma_start3A_149 = arith.constant 0 : i32
    %dma_start3A_150 = arith.constant 0 : i32
    %dma_start3A_151 = tpu.memref_slice %arg3[%dma_start3A_149, %dma_start3A_150] : memref<8192x1024xf32, #tpu.memory_space<hbm>> -> memref<8192x1024xf32, #tpu.memory_space<hbm>>
    tpu.enqueue_indirect_dma source(%dma_start3A_151 : memref<8192x1024xf32, #tpu.memory_space<hbm>>) target(%arg8 : memref<8x1024xf32, #tpu.memory_space<vmem>>) offsets(%dma_start3A_148 : memref<8xi32, #tpu.memory_space<vmem>>) semaphore(%arg16 : memref<!tpu.dma_semaphore, #tpu.memory_space<semaphore_mem>>)
    %multiple_of3A_152 = arith.constant 40 : i32
    %multiple_of3A_153 = tpu.assume_multiple %multiple_of3A_152, 8 : i32
    %dma_wait3A_154 = tpu.memref_slice %arg5[%multiple_of3A_153] : memref<768xi32, #tpu.memory_space<vmem>> -> memref<8xi32, #tpu.memory_space<vmem>>
    %dma_wait3A_155 = arith.constant 0 : i32
    %dma_wait3A_156 = arith.constant 0 : i32
    %dma_wait3A_157 = tpu.memref_slice %arg3[%dma_wait3A_155, %dma_wait3A_156] : memref<8192x1024xf32, #tpu.memory_space<hbm>> -> memref<8192x1024xf32, #tpu.memory_space<hbm>>
    tpu.wait_indirect_dma semaphore(%arg19 : memref<!tpu.dma_semaphore, #tpu.memory_space<semaphore_mem>>) src(%dma_wait3A_157 : memref<8192x1024xf32, #tpu.memory_space<hbm>>) dst(%arg11 : memref<8x1024xf32, #tpu.memory_space<vmem>>)
    %multiple_of3A_158 = arith.constant 40 : i32
    %multiple_of3A_159 = tpu.assume_multiple %multiple_of3A_158, 8 : i32
    %add3A_160 = arith.addi %mul3A_2, %multiple_of3A_159 : i32
    %dma_start3A_161 = arith.constant 0 : i32
    %dma_start3A_162 = tpu.memref_slice %arg4[%add3A_160, %dma_start3A_161] : memref<24576x1024xf32, #tpu.memory_space<hbm>> -> memref<8x1024xf32, #tpu.memory_space<hbm>>
    %dma_start3A_163 = arith.constant 0 : i32
    %dma_start3A_164 = tpu.memref_slice %arg4[%add3A_160, %dma_start3A_163] : memref<24576x1024xf32, #tpu.memory_space<hbm>> -> memref<8x1024xf32, #tpu.memory_space<hbm>>
    tpu.enqueue_dma source(%arg11 : memref<8x1024xf32, #tpu.memory_space<vmem>>) target(%dma_start3A_164 : memref<8x1024xf32, #tpu.memory_space<hbm>>) target_semaphore(%arg27 : memref<!tpu.dma_semaphore, #tpu.memory_space<semaphore_mem>>)
    %multiple_of3A_165 = arith.constant 24 : i32
    %multiple_of3A_166 = tpu.assume_multiple %multiple_of3A_165, 8 : i32
    %add3A_167 = arith.addi %mul3A_2, %multiple_of3A_166 : i32
    %dma_wait3A_168 = arith.constant 0 : i32
    %dma_wait3A_169 = tpu.memref_slice %arg4[%add3A_167, %dma_wait3A_168] : memref<24576x1024xf32, #tpu.memory_space<hbm>> -> memref<8x1024xf32, #tpu.memory_space<hbm>>
    %dma_wait3A_170 = arith.constant 0 : i32
    %dma_wait3A_171 = tpu.memref_slice %arg4[%add3A_167, %dma_wait3A_170] : memref<24576x1024xf32, #tpu.memory_space<hbm>> -> memref<8x1024xf32, #tpu.memory_space<hbm>>
    tpu.wait_dma2 semaphore(%arg25 : memref<!tpu.dma_semaphore, #tpu.memory_space<semaphore_mem>>) src(%arg9 : memref<8x1024xf32, #tpu.memory_space<vmem>>) dst(%dma_wait3A_171 : memref<8x1024xf32, #tpu.memory_space<hbm>>)
    %multiple_of3A_172 = arith.constant 88 : i32
    %multiple_of3A_173 = tpu.assume_multiple %multiple_of3A_172, 8 : i32
    %dma_start3A_174 = tpu.memref_slice %arg5[%multiple_of3A_173] : memref<768xi32, #tpu.memory_space<vmem>> -> memref<8xi32, #tpu.memory_space<vmem>>
    %dma_start3A_175 = arith.constant 0 : i32
    %dma_start3A_176 = arith.constant 0 : i32
    %dma_start3A_177 = tpu.memref_slice %arg3[%dma_start3A_175, %dma_start3A_176] : memref<8192x1024xf32, #tpu.memory_space<hbm>> -> memref<8192x1024xf32, #tpu.memory_space<hbm>>
    tpu.enqueue_indirect_dma source(%dma_start3A_177 : memref<8192x1024xf32, #tpu.memory_space<hbm>>) target(%arg9 : memref<8x1024xf32, #tpu.memory_space<vmem>>) offsets(%dma_start3A_174 : memref<8xi32, #tpu.memory_space<vmem>>) semaphore(%arg17 : memref<!tpu.dma_semaphore, #tpu.memory_space<semaphore_mem>>)
    %multiple_of3A_178 = arith.constant 48 : i32
    %multiple_of3A_179 = tpu.assume_multiple %multiple_of3A_178, 8 : i32
    %dma_wait3A_180 = tpu.memref_slice %arg5[%multiple_of3A_179] : memref<768xi32, #tpu.memory_space<vmem>> -> memref<8xi32, #tpu.memory_space<vmem>>
    %dma_wait3A_181 = arith.constant 0 : i32
    %dma_wait3A_182 = arith.constant 0 : i32
    %dma_wait3A_183 = tpu.memref_slice %arg3[%dma_wait3A_181, %dma_wait3A_182] : memref<8192x1024xf32, #tpu.memory_space<hbm>> -> memref<8192x1024xf32, #tpu.memory_space<hbm>>
    tpu.wait_indirect_dma semaphore(%arg20 : memref<!tpu.dma_semaphore, #tpu.memory_space<semaphore_mem>>) src(%dma_wait3A_183 : memref<8192x1024xf32, #tpu.memory_space<hbm>>) dst(%arg12 : memref<8x1024xf32, #tpu.memory_space<vmem>>)
    %multiple_of3A_184 = arith.constant 48 : i32
    %multiple_of3A_185 = tpu.assume_multiple %multiple_of3A_184, 8 : i32
    %add3A_186 = arith.addi %mul3A_2, %multiple_of3A_185 : i32
    %dma_start3A_187 = arith.constant 0 : i32
    %dma_start3A_188 = tpu.memref_slice %arg4[%add3A_186, %dma_start3A_187] : memref<24576x1024xf32, #tpu.memory_space<hbm>> -> memref<8x1024xf32, #tpu.memory_space<hbm>>
    %dma_start3A_189 = arith.constant 0 : i32
    %dma_start3A_190 = tpu.memref_slice %arg4[%add3A_186, %dma_start3A_189] : memref<24576x1024xf32, #tpu.memory_space<hbm>> -> memref<8x1024xf32, #tpu.memory_space<hbm>>
    tpu.enqueue_dma source(%arg12 : memref<8x1024xf32, #tpu.memory_space<vmem>>) target(%dma_start3A_190 : memref<8x1024xf32, #tpu.memory_space<hbm>>) target_semaphore(%arg28 : memref<!tpu.dma_semaphore, #tpu.memory_space<semaphore_mem>>)
    %multiple_of3A_191 = arith.constant 32 : i32
    %multiple_of3A_192 = tpu.assume_multiple %multiple_of3A_191, 8 : i32
    %add3A_193 = arith.addi %mul3A_2, %multiple_of3A_192 : i32
    %dma_wait3A_194 = arith.constant 0 : i32
    %dma_wait3A_195 = tpu.memref_slice %arg4[%add3A_193, %dma_wait3A_194] : memref<24576x1024xf32, #tpu.memory_space<hbm>> -> memref<8x1024xf32, #tpu.memory_space<hbm>>
    %dma_wait3A_196 = arith.constant 0 : i32
    %dma_wait3A_197 = tpu.memref_slice %arg4[%add3A_193, %dma_wait3A_196] : memref<24576x1024xf32, #tpu.memory_space<hbm>> -> memref<8x1024xf32, #tpu.memory_space<hbm>>
    tpu.wait_dma2 semaphore(%arg26 : memref<!tpu.dma_semaphore, #tpu.memory_space<semaphore_mem>>) src(%arg10 : memref<8x1024xf32, #tpu.memory_space<vmem>>) dst(%dma_wait3A_197 : memref<8x1024xf32, #tpu.memory_space<hbm>>)
    %multiple_of3A_198 = arith.constant 96 : i32
    %multiple_of3A_199 = tpu.assume_multiple %multiple_of3A_198, 8 : i32
    %dma_start3A_200 = tpu.memref_slice %arg5[%multiple_of3A_199] : memref<768xi32, #tpu.memory_space<vmem>> -> memref<8xi32, #tpu.memory_space<vmem>>
    %dma_start3A_201 = arith.constant 0 : i32
    %dma_start3A_202 = arith.constant 0 : i32
    %dma_start3A_203 = tpu.memref_slice %arg3[%dma_start3A_201, %dma_start3A_202] : memref<8192x1024xf32, #tpu.memory_space<hbm>> -> memref<8192x1024xf32, #tpu.memory_space<hbm>>
    tpu.enqueue_indirect_dma source(%dma_start3A_203 : memref<8192x1024xf32, #tpu.memory_space<hbm>>) target(%arg10 : memref<8x1024xf32, #tpu.memory_space<vmem>>) offsets(%dma_start3A_200 : memref<8xi32, #tpu.memory_space<vmem>>) semaphore(%arg18 : memref<!tpu.dma_semaphore, #tpu.memory_space<semaphore_mem>>)
    %multiple_of3A_204 = arith.constant 56 : i32
    %multiple_of3A_205 = tpu.assume_multiple %multiple_of3A_204, 8 : i32
    %dma_wait3A_206 = tpu.memref_slice %arg5[%multiple_of3A_205] : memref<768xi32, #tpu.memory_space<vmem>> -> memref<8xi32, #tpu.memory_space<vmem>>
    %dma_wait3A_207 = arith.constant 0 : i32
    %dma_wait3A_208 = arith.constant 0 : i32
    %dma_wait3A_209 = tpu.memref_slice %arg3[%dma_wait3A_207, %dma_wait3A_208] : memref<8192x1024xf32, #tpu.memory_space<hbm>> -> memref<8192x1024xf32, #tpu.memory_space<hbm>>
    tpu.wait_indirect_dma semaphore(%arg21 : memref<!tpu.dma_semaphore, #tpu.memory_space<semaphore_mem>>) src(%dma_wait3A_209 : memref<8192x1024xf32, #tpu.memory_space<hbm>>) dst(%arg13 : memref<8x1024xf32, #tpu.memory_space<vmem>>)
    %multiple_of3A_210 = arith.constant 56 : i32
    %multiple_of3A_211 = tpu.assume_multiple %multiple_of3A_210, 8 : i32
    %add3A_212 = arith.addi %mul3A_2, %multiple_of3A_211 : i32
    %dma_start3A_213 = arith.constant 0 : i32
    %dma_start3A_214 = tpu.memref_slice %arg4[%add3A_212, %dma_start3A_213] : memref<24576x1024xf32, #tpu.memory_space<hbm>> -> memref<8x1024xf32, #tpu.memory_space<hbm>>
    %dma_start3A_215 = arith.constant 0 : i32
    %dma_start3A_216 = tpu.memref_slice %arg4[%add3A_212, %dma_start3A_215] : memref<24576x1024xf32, #tpu.memory_space<hbm>> -> memref<8x1024xf32, #tpu.memory_space<hbm>>
    tpu.enqueue_dma source(%arg13 : memref<8x1024xf32, #tpu.memory_space<vmem>>) target(%dma_start3A_216 : memref<8x1024xf32, #tpu.memory_space<hbm>>) target_semaphore(%arg29 : memref<!tpu.dma_semaphore, #tpu.memory_space<semaphore_mem>>)
    %multiple_of3A_217 = arith.constant 40 : i32
    %multiple_of3A_218 = tpu.assume_multiple %multiple_of3A_217, 8 : i32
    %add3A_219 = arith.addi %mul3A_2, %multiple_of3A_218 : i32
    %dma_wait3A_220 = arith.constant 0 : i32
    %dma_wait3A_221 = tpu.memref_slice %arg4[%add3A_219, %dma_wait3A_220] : memref<24576x1024xf32, #tpu.memory_space<hbm>> -> memref<8x1024xf32, #tpu.memory_space<hbm>>
    %dma_wait3A_222 = arith.constant 0 : i32
    %dma_wait3A_223 = tpu.memref_slice %arg4[%add3A_219, %dma_wait3A_222] : memref<24576x1024xf32, #tpu.memory_space<hbm>> -> memref<8x1024xf32, #tpu.memory_space<hbm>>
    tpu.wait_dma2 semaphore(%arg27 : memref<!tpu.dma_semaphore, #tpu.memory_space<semaphore_mem>>) src(%arg11 : memref<8x1024xf32, #tpu.memory_space<vmem>>) dst(%dma_wait3A_223 : memref<8x1024xf32, #tpu.memory_space<hbm>>)
    %multiple_of3A_224 = arith.constant 104 : i32
    %multiple_of3A_225 = tpu.assume_multiple %multiple_of3A_224, 8 : i32
    %dma_start3A_226 = tpu.memref_slice %arg5[%multiple_of3A_225] : memref<768xi32, #tpu.memory_space<vmem>> -> memref<8xi32, #tpu.memory_space<vmem>>
    %dma_start3A_227 = arith.constant 0 : i32
    %dma_start3A_228 = arith.constant 0 : i32
    %dma_start3A_229 = tpu.memref_slice %arg3[%dma_start3A_227, %dma_start3A_228] : memref<8192x1024xf32, #tpu.memory_space<hbm>> -> memref<8192x1024xf32, #tpu.memory_space<hbm>>
    tpu.enqueue_indirect_dma source(%dma_start3A_229 : memref<8192x1024xf32, #tpu.memory_space<hbm>>) target(%arg11 : memref<8x1024xf32, #tpu.memory_space<vmem>>) offsets(%dma_start3A_226 : memref<8xi32, #tpu.memory_space<vmem>>) semaphore(%arg19 : memref<!tpu.dma_semaphore, #tpu.memory_space<semaphore_mem>>)
    %scan3A = arith.constant 0 : i32
    %scan3A_230 = arith.constant 1 : i32
    %scan3A_231 = arith.constant 11 : i32
    %scan3A_232 = arith.addi %scan3A_230, %scan3A_231 : i32
    %scan3A_233 = arith.constant 1 : i32
    %scan3A_234 = scf.for %scan3A_292 = %scan3A_230 to %scan3A_232 step %scan3A_233 iter_args(%scan3A_293 = %scan3A) -> (i32)  : i32 {
      %mul3A_294 = arith.constant 8 : i32
      %mul3A_295 = arith.muli %scan3A_292, %mul3A_294 : i32
      %add3A_296 = arith.constant 0 : i32
      %add3A_297 = arith.addi %mul3A_295, %add3A_296 : i32
      %mul3A_298 = arith.constant 8 : i32
      %mul3A_299 = arith.muli %add3A_297, %mul3A_298 : i32
      %multiple_of3A_300 = tpu.assume_multiple %mul3A_299, 8 : i32
      %dma_wait3A_301 = tpu.memref_slice %arg5[%multiple_of3A_300] : memref<768xi32, #tpu.memory_space<vmem>> -> memref<8xi32, #tpu.memory_space<vmem>>
      %dma_wait3A_302 = arith.constant 0 : i32
      %dma_wait3A_303 = arith.constant 0 : i32
      %dma_wait3A_304 = tpu.memref_slice %arg3[%dma_wait3A_302, %dma_wait3A_303] : memref<8192x1024xf32, #tpu.memory_space<hbm>> -> memref<8192x1024xf32, #tpu.memory_space<hbm>>
      tpu.wait_indirect_dma semaphore(%arg14 : memref<!tpu.dma_semaphore, #tpu.memory_space<semaphore_mem>>) src(%dma_wait3A_304 : memref<8192x1024xf32, #tpu.memory_space<hbm>>) dst(%arg6 : memref<8x1024xf32, #tpu.memory_space<vmem>>)
      %mul3A_305 = arith.constant 8 : i32
      %mul3A_306 = arith.muli %add3A_297, %mul3A_305 : i32
      %multiple_of3A_307 = tpu.assume_multiple %mul3A_306, 8 : i32
      %add3A_308 = arith.addi %mul3A_2, %multiple_of3A_307 : i32
      %dma_start3A_309 = arith.constant 0 : i32
      %dma_start3A_310 = tpu.memref_slice %arg4[%add3A_308, %dma_start3A_309] : memref<24576x1024xf32, #tpu.memory_space<hbm>> -> memref<8x1024xf32, #tpu.memory_space<hbm>>
      %dma_start3A_311 = arith.constant 0 : i32
      %dma_start3A_312 = tpu.memref_slice %arg4[%add3A_308, %dma_start3A_311] : memref<24576x1024xf32, #tpu.memory_space<hbm>> -> memref<8x1024xf32, #tpu.memory_space<hbm>>
      tpu.enqueue_dma source(%arg6 : memref<8x1024xf32, #tpu.memory_space<vmem>>) target(%dma_start3A_312 : memref<8x1024xf32, #tpu.memory_space<hbm>>) target_semaphore(%arg22 : memref<!tpu.dma_semaphore, #tpu.memory_space<semaphore_mem>>)
      %add3A_313 = arith.constant 0 : i32
      %add3A_314 = arith.addi %mul3A_295, %add3A_313 : i32
      %sub3A = arith.constant 2 : i32
      %sub3A_315 = arith.subi %add3A_314, %sub3A : i32
      %add3A_316 = arith.constant 8 : i32
      %add3A_317 = arith.addi %sub3A_315, %add3A_316 : i32
      %lt3A = arith.constant 96 : i32
      %lt3A_318 = arith.cmpi slt, %add3A_317, %lt3A : i32
      %convert_element_type3A = arith.extui %lt3A_318 : i1 to i32
      %cond3A = arith.constant 0 : i32
      %cond3A_319 = arith.cmpi ne, %convert_element_type3A, %cond3A : i32
      scf.if %cond3A_319 {
        %mul3A_517 = arith.constant 8 : i32
        %mul3A_518 = arith.muli %sub3A_315, %mul3A_517 : i32
        %multiple_of3A_519 = tpu.assume_multiple %mul3A_518, 8 : i32
        %add3A_520 = arith.addi %mul3A_2, %multiple_of3A_519 : i32
        %dma_wait3A_521 = arith.constant 0 : i32
        %dma_wait3A_522 = tpu.memref_slice %arg4[%add3A_520, %dma_wait3A_521] : memref<24576x1024xf32, #tpu.memory_space<hbm>> -> memref<8x1024xf32, #tpu.memory_space<hbm>>
        %dma_wait3A_523 = arith.constant 0 : i32
        %dma_wait3A_524 = tpu.memref_slice %arg4[%add3A_520, %dma_wait3A_523] : memref<24576x1024xf32, #tpu.memory_space<hbm>> -> memref<8x1024xf32, #tpu.memory_space<hbm>>
        tpu.wait_dma2 semaphore(%arg28 : memref<!tpu.dma_semaphore, #tpu.memory_space<semaphore_mem>>) src(%arg12 : memref<8x1024xf32, #tpu.memory_space<vmem>>) dst(%dma_wait3A_524 : memref<8x1024xf32, #tpu.memory_space<hbm>>)
        %add3A_525 = arith.constant 8 : i32
        %add3A_526 = arith.addi %sub3A_315, %add3A_525 : i32
        %mul3A_527 = arith.constant 8 : i32
        %mul3A_528 = arith.muli %add3A_526, %mul3A_527 : i32
        %multiple_of3A_529 = tpu.assume_multiple %mul3A_528, 8 : i32
        %dma_start3A_530 = tpu.memref_slice %arg5[%multiple_of3A_529] : memref<768xi32, #tpu.memory_space<vmem>> -> memref<8xi32, #tpu.memory_space<vmem>>
        %dma_start3A_531 = arith.constant 0 : i32
        %dma_start3A_532 = arith.constant 0 : i32
        %dma_start3A_533 = tpu.memref_slice %arg3[%dma_start3A_531, %dma_start3A_532] : memref<8192x1024xf32, #tpu.memory_space<hbm>> -> memref<8192x1024xf32, #tpu.memory_space<hbm>>
        tpu.enqueue_indirect_dma source(%dma_start3A_533 : memref<8192x1024xf32, #tpu.memory_space<hbm>>) target(%arg12 : memref<8x1024xf32, #tpu.memory_space<vmem>>) offsets(%dma_start3A_530 : memref<8xi32, #tpu.memory_space<vmem>>) semaphore(%arg20 : memref<!tpu.dma_semaphore, #tpu.memory_space<semaphore_mem>>)
      } else {
      }
      %add3A_320 = arith.constant 1 : i32
      %add3A_321 = arith.addi %mul3A_295, %add3A_320 : i32
      %mul3A_322 = arith.constant 8 : i32
      %mul3A_323 = arith.muli %add3A_321, %mul3A_322 : i32
      %multiple_of3A_324 = tpu.assume_multiple %mul3A_323, 8 : i32
      %dma_wait3A_325 = tpu.memref_slice %arg5[%multiple_of3A_324] : memref<768xi32, #tpu.memory_space<vmem>> -> memref<8xi32, #tpu.memory_space<vmem>>
      %dma_wait3A_326 = arith.constant 0 : i32
      %dma_wait3A_327 = arith.constant 0 : i32
      %dma_wait3A_328 = tpu.memref_slice %arg3[%dma_wait3A_326, %dma_wait3A_327] : memref<8192x1024xf32, #tpu.memory_space<hbm>> -> memref<8192x1024xf32, #tpu.memory_space<hbm>>
      tpu.wait_indirect_dma semaphore(%arg15 : memref<!tpu.dma_semaphore, #tpu.memory_space<semaphore_mem>>) src(%dma_wait3A_328 : memref<8192x1024xf32, #tpu.memory_space<hbm>>) dst(%arg7 : memref<8x1024xf32, #tpu.memory_space<vmem>>)
      %mul3A_329 = arith.constant 8 : i32
      %mul3A_330 = arith.muli %add3A_321, %mul3A_329 : i32
      %multiple_of3A_331 = tpu.assume_multiple %mul3A_330, 8 : i32
      %add3A_332 = arith.addi %mul3A_2, %multiple_of3A_331 : i32
      %dma_start3A_333 = arith.constant 0 : i32
      %dma_start3A_334 = tpu.memref_slice %arg4[%add3A_332, %dma_start3A_333] : memref<24576x1024xf32, #tpu.memory_space<hbm>> -> memref<8x1024xf32, #tpu.memory_space<hbm>>
      %dma_start3A_335 = arith.constant 0 : i32
      %dma_start3A_336 = tpu.memref_slice %arg4[%add3A_332, %dma_start3A_335] : memref<24576x1024xf32, #tpu.memory_space<hbm>> -> memref<8x1024xf32, #tpu.memory_space<hbm>>
      tpu.enqueue_dma source(%arg7 : memref<8x1024xf32, #tpu.memory_space<vmem>>) target(%dma_start3A_336 : memref<8x1024xf32, #tpu.memory_space<hbm>>) target_semaphore(%arg23 : memref<!tpu.dma_semaphore, #tpu.memory_space<semaphore_mem>>)
      %add3A_337 = arith.constant 1 : i32
      %add3A_338 = arith.addi %mul3A_295, %add3A_337 : i32
      %sub3A_339 = arith.constant 2 : i32
      %sub3A_340 = arith.subi %add3A_338, %sub3A_339 : i32
      %add3A_341 = arith.constant 8 : i32
      %add3A_342 = arith.addi %sub3A_340, %add3A_341 : i32
      %lt3A_343 = arith.constant 96 : i32
      %lt3A_344 = arith.cmpi slt, %add3A_342, %lt3A_343 : i32
      %convert_element_type3A_345 = arith.extui %lt3A_344 : i1 to i32
      %cond3A_346 = arith.constant 0 : i32
      %cond3A_347 = arith.cmpi ne, %convert_element_type3A_345, %cond3A_346 : i32
      scf.if %cond3A_347 {
        %mul3A_517 = arith.constant 8 : i32
        %mul3A_518 = arith.muli %sub3A_340, %mul3A_517 : i32
        %multiple_of3A_519 = tpu.assume_multiple %mul3A_518, 8 : i32
        %add3A_520 = arith.addi %mul3A_2, %multiple_of3A_519 : i32
        %dma_wait3A_521 = arith.constant 0 : i32
        %dma_wait3A_522 = tpu.memref_slice %arg4[%add3A_520, %dma_wait3A_521] : memref<24576x1024xf32, #tpu.memory_space<hbm>> -> memref<8x1024xf32, #tpu.memory_space<hbm>>
        %dma_wait3A_523 = arith.constant 0 : i32
        %dma_wait3A_524 = tpu.memref_slice %arg4[%add3A_520, %dma_wait3A_523] : memref<24576x1024xf32, #tpu.memory_space<hbm>> -> memref<8x1024xf32, #tpu.memory_space<hbm>>
        tpu.wait_dma2 semaphore(%arg29 : memref<!tpu.dma_semaphore, #tpu.memory_space<semaphore_mem>>) src(%arg13 : memref<8x1024xf32, #tpu.memory_space<vmem>>) dst(%dma_wait3A_524 : memref<8x1024xf32, #tpu.memory_space<hbm>>)
        %add3A_525 = arith.constant 8 : i32
        %add3A_526 = arith.addi %sub3A_340, %add3A_525 : i32
        %mul3A_527 = arith.constant 8 : i32
        %mul3A_528 = arith.muli %add3A_526, %mul3A_527 : i32
        %multiple_of3A_529 = tpu.assume_multiple %mul3A_528, 8 : i32
        %dma_start3A_530 = tpu.memref_slice %arg5[%multiple_of3A_529] : memref<768xi32, #tpu.memory_space<vmem>> -> memref<8xi32, #tpu.memory_space<vmem>>
        %dma_start3A_531 = arith.constant 0 : i32
        %dma_start3A_532 = arith.constant 0 : i32
        %dma_start3A_533 = tpu.memref_slice %arg3[%dma_start3A_531, %dma_start3A_532] : memref<8192x1024xf32, #tpu.memory_space<hbm>> -> memref<8192x1024xf32, #tpu.memory_space<hbm>>
        tpu.enqueue_indirect_dma source(%dma_start3A_533 : memref<8192x1024xf32, #tpu.memory_space<hbm>>) target(%arg13 : memref<8x1024xf32, #tpu.memory_space<vmem>>) offsets(%dma_start3A_530 : memref<8xi32, #tpu.memory_space<vmem>>) semaphore(%arg21 : memref<!tpu.dma_semaphore, #tpu.memory_space<semaphore_mem>>)
      } else {
      }
      %add3A_348 = arith.constant 2 : i32
      %add3A_349 = arith.addi %mul3A_295, %add3A_348 : i32
      %mul3A_350 = arith.constant 8 : i32
      %mul3A_351 = arith.muli %add3A_349, %mul3A_350 : i32
      %multiple_of3A_352 = tpu.assume_multiple %mul3A_351, 8 : i32
      %dma_wait3A_353 = tpu.memref_slice %arg5[%multiple_of3A_352] : memref<768xi32, #tpu.memory_space<vmem>> -> memref<8xi32, #tpu.memory_space<vmem>>
      %dma_wait3A_354 = arith.constant 0 : i32
      %dma_wait3A_355 = arith.constant 0 : i32
      %dma_wait3A_356 = tpu.memref_slice %arg3[%dma_wait3A_354, %dma_wait3A_355] : memref<8192x1024xf32, #tpu.memory_space<hbm>> -> memref<8192x1024xf32, #tpu.memory_space<hbm>>
      tpu.wait_indirect_dma semaphore(%arg16 : memref<!tpu.dma_semaphore, #tpu.memory_space<semaphore_mem>>) src(%dma_wait3A_356 : memref<8192x1024xf32, #tpu.memory_space<hbm>>) dst(%arg8 : memref<8x1024xf32, #tpu.memory_space<vmem>>)
      %mul3A_357 = arith.constant 8 : i32
      %mul3A_358 = arith.muli %add3A_349, %mul3A_357 : i32
      %multiple_of3A_359 = tpu.assume_multiple %mul3A_358, 8 : i32
      %add3A_360 = arith.addi %mul3A_2, %multiple_of3A_359 : i32
      %dma_start3A_361 = arith.constant 0 : i32
      %dma_start3A_362 = tpu.memref_slice %arg4[%add3A_360, %dma_start3A_361] : memref<24576x1024xf32, #tpu.memory_space<hbm>> -> memref<8x1024xf32, #tpu.memory_space<hbm>>
      %dma_start3A_363 = arith.constant 0 : i32
      %dma_start3A_364 = tpu.memref_slice %arg4[%add3A_360, %dma_start3A_363] : memref<24576x1024xf32, #tpu.memory_space<hbm>> -> memref<8x1024xf32, #tpu.memory_space<hbm>>
      tpu.enqueue_dma source(%arg8 : memref<8x1024xf32, #tpu.memory_space<vmem>>) target(%dma_start3A_364 : memref<8x1024xf32, #tpu.memory_space<hbm>>) target_semaphore(%arg24 : memref<!tpu.dma_semaphore, #tpu.memory_space<semaphore_mem>>)
      %add3A_365 = arith.constant 2 : i32
      %add3A_366 = arith.addi %mul3A_295, %add3A_365 : i32
      %sub3A_367 = arith.constant 2 : i32
      %sub3A_368 = arith.subi %add3A_366, %sub3A_367 : i32
      %add3A_369 = arith.constant 8 : i32
      %add3A_370 = arith.addi %sub3A_368, %add3A_369 : i32
      %lt3A_371 = arith.constant 96 : i32
      %lt3A_372 = arith.cmpi slt, %add3A_370, %lt3A_371 : i32
      %convert_element_type3A_373 = arith.extui %lt3A_372 : i1 to i32
      %cond3A_374 = arith.constant 0 : i32
      %cond3A_375 = arith.cmpi ne, %convert_element_type3A_373, %cond3A_374 : i32
      scf.if %cond3A_375 {
        %mul3A_517 = arith.constant 8 : i32
        %mul3A_518 = arith.muli %sub3A_368, %mul3A_517 : i32
        %multiple_of3A_519 = tpu.assume_multiple %mul3A_518, 8 : i32
        %add3A_520 = arith.addi %mul3A_2, %multiple_of3A_519 : i32
        %dma_wait3A_521 = arith.constant 0 : i32
        %dma_wait3A_522 = tpu.memref_slice %arg4[%add3A_520, %dma_wait3A_521] : memref<24576x1024xf32, #tpu.memory_space<hbm>> -> memref<8x1024xf32, #tpu.memory_space<hbm>>
        %dma_wait3A_523 = arith.constant 0 : i32
        %dma_wait3A_524 = tpu.memref_slice %arg4[%add3A_520, %dma_wait3A_523] : memref<24576x1024xf32, #tpu.memory_space<hbm>> -> memref<8x1024xf32, #tpu.memory_space<hbm>>
        tpu.wait_dma2 semaphore(%arg22 : memref<!tpu.dma_semaphore, #tpu.memory_space<semaphore_mem>>) src(%arg6 : memref<8x1024xf32, #tpu.memory_space<vmem>>) dst(%dma_wait3A_524 : memref<8x1024xf32, #tpu.memory_space<hbm>>)
        %add3A_525 = arith.constant 8 : i32
        %add3A_526 = arith.addi %sub3A_368, %add3A_525 : i32
        %mul3A_527 = arith.constant 8 : i32
        %mul3A_528 = arith.muli %add3A_526, %mul3A_527 : i32
        %multiple_of3A_529 = tpu.assume_multiple %mul3A_528, 8 : i32
        %dma_start3A_530 = tpu.memref_slice %arg5[%multiple_of3A_529] : memref<768xi32, #tpu.memory_space<vmem>> -> memref<8xi32, #tpu.memory_space<vmem>>
        %dma_start3A_531 = arith.constant 0 : i32
        %dma_start3A_532 = arith.constant 0 : i32
        %dma_start3A_533 = tpu.memref_slice %arg3[%dma_start3A_531, %dma_start3A_532] : memref<8192x1024xf32, #tpu.memory_space<hbm>> -> memref<8192x1024xf32, #tpu.memory_space<hbm>>
        tpu.enqueue_indirect_dma source(%dma_start3A_533 : memref<8192x1024xf32, #tpu.memory_space<hbm>>) target(%arg6 : memref<8x1024xf32, #tpu.memory_space<vmem>>) offsets(%dma_start3A_530 : memref<8xi32, #tpu.memory_space<vmem>>) semaphore(%arg14 : memref<!tpu.dma_semaphore, #tpu.memory_space<semaphore_mem>>)
      } else {
      }
      %add3A_376 = arith.constant 3 : i32
      %add3A_377 = arith.addi %mul3A_295, %add3A_376 : i32
      %mul3A_378 = arith.constant 8 : i32
      %mul3A_379 = arith.muli %add3A_377, %mul3A_378 : i32
      %multiple_of3A_380 = tpu.assume_multiple %mul3A_379, 8 : i32
      %dma_wait3A_381 = tpu.memref_slice %arg5[%multiple_of3A_380] : memref<768xi32, #tpu.memory_space<vmem>> -> memref<8xi32, #tpu.memory_space<vmem>>
      %dma_wait3A_382 = arith.constant 0 : i32
      %dma_wait3A_383 = arith.constant 0 : i32
      %dma_wait3A_384 = tpu.memref_slice %arg3[%dma_wait3A_382, %dma_wait3A_383] : memref<8192x1024xf32, #tpu.memory_space<hbm>> -> memref<8192x1024xf32, #tpu.memory_space<hbm>>
      tpu.wait_indirect_dma semaphore(%arg17 : memref<!tpu.dma_semaphore, #tpu.memory_space<semaphore_mem>>) src(%dma_wait3A_384 : memref<8192x1024xf32, #tpu.memory_space<hbm>>) dst(%arg9 : memref<8x1024xf32, #tpu.memory_space<vmem>>)
      %mul3A_385 = arith.constant 8 : i32
      %mul3A_386 = arith.muli %add3A_377, %mul3A_385 : i32
      %multiple_of3A_387 = tpu.assume_multiple %mul3A_386, 8 : i32
      %add3A_388 = arith.addi %mul3A_2, %multiple_of3A_387 : i32
      %dma_start3A_389 = arith.constant 0 : i32
      %dma_start3A_390 = tpu.memref_slice %arg4[%add3A_388, %dma_start3A_389] : memref<24576x1024xf32, #tpu.memory_space<hbm>> -> memref<8x1024xf32, #tpu.memory_space<hbm>>
      %dma_start3A_391 = arith.constant 0 : i32
      %dma_start3A_392 = tpu.memref_slice %arg4[%add3A_388, %dma_start3A_391] : memref<24576x1024xf32, #tpu.memory_space<hbm>> -> memref<8x1024xf32, #tpu.memory_space<hbm>>
      tpu.enqueue_dma source(%arg9 : memref<8x1024xf32, #tpu.memory_space<vmem>>) target(%dma_start3A_392 : memref<8x1024xf32, #tpu.memory_space<hbm>>) target_semaphore(%arg25 : memref<!tpu.dma_semaphore, #tpu.memory_space<semaphore_mem>>)
      %add3A_393 = arith.constant 3 : i32
      %add3A_394 = arith.addi %mul3A_295, %add3A_393 : i32
      %sub3A_395 = arith.constant 2 : i32
      %sub3A_396 = arith.subi %add3A_394, %sub3A_395 : i32
      %add3A_397 = arith.constant 8 : i32
      %add3A_398 = arith.addi %sub3A_396, %add3A_397 : i32
      %lt3A_399 = arith.constant 96 : i32
      %lt3A_400 = arith.cmpi slt, %add3A_398, %lt3A_399 : i32
      %convert_element_type3A_401 = arith.extui %lt3A_400 : i1 to i32
      %cond3A_402 = arith.constant 0 : i32
      %cond3A_403 = arith.cmpi ne, %convert_element_type3A_401, %cond3A_402 : i32
      scf.if %cond3A_403 {
        %mul3A_517 = arith.constant 8 : i32
        %mul3A_518 = arith.muli %sub3A_396, %mul3A_517 : i32
        %multiple_of3A_519 = tpu.assume_multiple %mul3A_518, 8 : i32
        %add3A_520 = arith.addi %mul3A_2, %multiple_of3A_519 : i32
        %dma_wait3A_521 = arith.constant 0 : i32
        %dma_wait3A_522 = tpu.memref_slice %arg4[%add3A_520, %dma_wait3A_521] : memref<24576x1024xf32, #tpu.memory_space<hbm>> -> memref<8x1024xf32, #tpu.memory_space<hbm>>
        %dma_wait3A_523 = arith.constant 0 : i32
        %dma_wait3A_524 = tpu.memref_slice %arg4[%add3A_520, %dma_wait3A_523] : memref<24576x1024xf32, #tpu.memory_space<hbm>> -> memref<8x1024xf32, #tpu.memory_space<hbm>>
        tpu.wait_dma2 semaphore(%arg23 : memref<!tpu.dma_semaphore, #tpu.memory_space<semaphore_mem>>) src(%arg7 : memref<8x1024xf32, #tpu.memory_space<vmem>>) dst(%dma_wait3A_524 : memref<8x1024xf32, #tpu.memory_space<hbm>>)
        %add3A_525 = arith.constant 8 : i32
        %add3A_526 = arith.addi %sub3A_396, %add3A_525 : i32
        %mul3A_527 = arith.constant 8 : i32
        %mul3A_528 = arith.muli %add3A_526, %mul3A_527 : i32
        %multiple_of3A_529 = tpu.assume_multiple %mul3A_528, 8 : i32
        %dma_start3A_530 = tpu.memref_slice %arg5[%multiple_of3A_529] : memref<768xi32, #tpu.memory_space<vmem>> -> memref<8xi32, #tpu.memory_space<vmem>>
        %dma_start3A_531 = arith.constant 0 : i32
        %dma_start3A_532 = arith.constant 0 : i32
        %dma_start3A_533 = tpu.memref_slice %arg3[%dma_start3A_531, %dma_start3A_532] : memref<8192x1024xf32, #tpu.memory_space<hbm>> -> memref<8192x1024xf32, #tpu.memory_space<hbm>>
        tpu.enqueue_indirect_dma source(%dma_start3A_533 : memref<8192x1024xf32, #tpu.memory_space<hbm>>) target(%arg7 : memref<8x1024xf32, #tpu.memory_space<vmem>>) offsets(%dma_start3A_530 : memref<8xi32, #tpu.memory_space<vmem>>) semaphore(%arg15 : memref<!tpu.dma_semaphore, #tpu.memory_space<semaphore_mem>>)
      } else {
      }
      %add3A_404 = arith.constant 4 : i32
      %add3A_405 = arith.addi %mul3A_295, %add3A_404 : i32
      %mul3A_406 = arith.constant 8 : i32
      %mul3A_407 = arith.muli %add3A_405, %mul3A_406 : i32
      %multiple_of3A_408 = tpu.assume_multiple %mul3A_407, 8 : i32
      %dma_wait3A_409 = tpu.memref_slice %arg5[%multiple_of3A_408] : memref<768xi32, #tpu.memory_space<vmem>> -> memref<8xi32, #tpu.memory_space<vmem>>
      %dma_wait3A_410 = arith.constant 0 : i32
      %dma_wait3A_411 = arith.constant 0 : i32
      %dma_wait3A_412 = tpu.memref_slice %arg3[%dma_wait3A_410, %dma_wait3A_411] : memref<8192x1024xf32, #tpu.memory_space<hbm>> -> memref<8192x1024xf32, #tpu.memory_space<hbm>>
      tpu.wait_indirect_dma semaphore(%arg18 : memref<!tpu.dma_semaphore, #tpu.memory_space<semaphore_mem>>) src(%dma_wait3A_412 : memref<8192x1024xf32, #tpu.memory_space<hbm>>) dst(%arg10 : memref<8x1024xf32, #tpu.memory_space<vmem>>)
      %mul3A_413 = arith.constant 8 : i32
      %mul3A_414 = arith.muli %add3A_405, %mul3A_413 : i32
      %multiple_of3A_415 = tpu.assume_multiple %mul3A_414, 8 : i32
      %add3A_416 = arith.addi %mul3A_2, %multiple_of3A_415 : i32
      %dma_start3A_417 = arith.constant 0 : i32
      %dma_start3A_418 = tpu.memref_slice %arg4[%add3A_416, %dma_start3A_417] : memref<24576x1024xf32, #tpu.memory_space<hbm>> -> memref<8x1024xf32, #tpu.memory_space<hbm>>
      %dma_start3A_419 = arith.constant 0 : i32
      %dma_start3A_420 = tpu.memref_slice %arg4[%add3A_416, %dma_start3A_419] : memref<24576x1024xf32, #tpu.memory_space<hbm>> -> memref<8x1024xf32, #tpu.memory_space<hbm>>
      tpu.enqueue_dma source(%arg10 : memref<8x1024xf32, #tpu.memory_space<vmem>>) target(%dma_start3A_420 : memref<8x1024xf32, #tpu.memory_space<hbm>>) target_semaphore(%arg26 : memref<!tpu.dma_semaphore, #tpu.memory_space<semaphore_mem>>)
      %add3A_421 = arith.constant 4 : i32
      %add3A_422 = arith.addi %mul3A_295, %add3A_421 : i32
      %sub3A_423 = arith.constant 2 : i32
      %sub3A_424 = arith.subi %add3A_422, %sub3A_423 : i32
      %add3A_425 = arith.constant 8 : i32
      %add3A_426 = arith.addi %sub3A_424, %add3A_425 : i32
      %lt3A_427 = arith.constant 96 : i32
      %lt3A_428 = arith.cmpi slt, %add3A_426, %lt3A_427 : i32
      %convert_element_type3A_429 = arith.extui %lt3A_428 : i1 to i32
      %cond3A_430 = arith.constant 0 : i32
      %cond3A_431 = arith.cmpi ne, %convert_element_type3A_429, %cond3A_430 : i32
      scf.if %cond3A_431 {
        %mul3A_517 = arith.constant 8 : i32
        %mul3A_518 = arith.muli %sub3A_424, %mul3A_517 : i32
        %multiple_of3A_519 = tpu.assume_multiple %mul3A_518, 8 : i32
        %add3A_520 = arith.addi %mul3A_2, %multiple_of3A_519 : i32
        %dma_wait3A_521 = arith.constant 0 : i32
        %dma_wait3A_522 = tpu.memref_slice %arg4[%add3A_520, %dma_wait3A_521] : memref<24576x1024xf32, #tpu.memory_space<hbm>> -> memref<8x1024xf32, #tpu.memory_space<hbm>>
        %dma_wait3A_523 = arith.constant 0 : i32
        %dma_wait3A_524 = tpu.memref_slice %arg4[%add3A_520, %dma_wait3A_523] : memref<24576x1024xf32, #tpu.memory_space<hbm>> -> memref<8x1024xf32, #tpu.memory_space<hbm>>
        tpu.wait_dma2 semaphore(%arg24 : memref<!tpu.dma_semaphore, #tpu.memory_space<semaphore_mem>>) src(%arg8 : memref<8x1024xf32, #tpu.memory_space<vmem>>) dst(%dma_wait3A_524 : memref<8x1024xf32, #tpu.memory_space<hbm>>)
        %add3A_525 = arith.constant 8 : i32
        %add3A_526 = arith.addi %sub3A_424, %add3A_525 : i32
        %mul3A_527 = arith.constant 8 : i32
        %mul3A_528 = arith.muli %add3A_526, %mul3A_527 : i32
        %multiple_of3A_529 = tpu.assume_multiple %mul3A_528, 8 : i32
        %dma_start3A_530 = tpu.memref_slice %arg5[%multiple_of3A_529] : memref<768xi32, #tpu.memory_space<vmem>> -> memref<8xi32, #tpu.memory_space<vmem>>
        %dma_start3A_531 = arith.constant 0 : i32
        %dma_start3A_532 = arith.constant 0 : i32
        %dma_start3A_533 = tpu.memref_slice %arg3[%dma_start3A_531, %dma_start3A_532] : memref<8192x1024xf32, #tpu.memory_space<hbm>> -> memref<8192x1024xf32, #tpu.memory_space<hbm>>
        tpu.enqueue_indirect_dma source(%dma_start3A_533 : memref<8192x1024xf32, #tpu.memory_space<hbm>>) target(%arg8 : memref<8x1024xf32, #tpu.memory_space<vmem>>) offsets(%dma_start3A_530 : memref<8xi32, #tpu.memory_space<vmem>>) semaphore(%arg16 : memref<!tpu.dma_semaphore, #tpu.memory_space<semaphore_mem>>)
      } else {
      }
      %add3A_432 = arith.constant 5 : i32
      %add3A_433 = arith.addi %mul3A_295, %add3A_432 : i32
      %mul3A_434 = arith.constant 8 : i32
      %mul3A_435 = arith.muli %add3A_433, %mul3A_434 : i32
      %multiple_of3A_436 = tpu.assume_multiple %mul3A_435, 8 : i32
      %dma_wait3A_437 = tpu.memref_slice %arg5[%multiple_of3A_436] : memref<768xi32, #tpu.memory_space<vmem>> -> memref<8xi32, #tpu.memory_space<vmem>>
      %dma_wait3A_438 = arith.constant 0 : i32
      %dma_wait3A_439 = arith.constant 0 : i32
      %dma_wait3A_440 = tpu.memref_slice %arg3[%dma_wait3A_438, %dma_wait3A_439] : memref<8192x1024xf32, #tpu.memory_space<hbm>> -> memref<8192x1024xf32, #tpu.memory_space<hbm>>
      tpu.wait_indirect_dma semaphore(%arg19 : memref<!tpu.dma_semaphore, #tpu.memory_space<semaphore_mem>>) src(%dma_wait3A_440 : memref<8192x1024xf32, #tpu.memory_space<hbm>>) dst(%arg11 : memref<8x1024xf32, #tpu.memory_space<vmem>>)
      %mul3A_441 = arith.constant 8 : i32
      %mul3A_442 = arith.muli %add3A_433, %mul3A_441 : i32
      %multiple_of3A_443 = tpu.assume_multiple %mul3A_442, 8 : i32
      %add3A_444 = arith.addi %mul3A_2, %multiple_of3A_443 : i32
      %dma_start3A_445 = arith.constant 0 : i32
      %dma_start3A_446 = tpu.memref_slice %arg4[%add3A_444, %dma_start3A_445] : memref<24576x1024xf32, #tpu.memory_space<hbm>> -> memref<8x1024xf32, #tpu.memory_space<hbm>>
      %dma_start3A_447 = arith.constant 0 : i32
      %dma_start3A_448 = tpu.memref_slice %arg4[%add3A_444, %dma_start3A_447] : memref<24576x1024xf32, #tpu.memory_space<hbm>> -> memref<8x1024xf32, #tpu.memory_space<hbm>>
      tpu.enqueue_dma source(%arg11 : memref<8x1024xf32, #tpu.memory_space<vmem>>) target(%dma_start3A_448 : memref<8x1024xf32, #tpu.memory_space<hbm>>) target_semaphore(%arg27 : memref<!tpu.dma_semaphore, #tpu.memory_space<semaphore_mem>>)
      %add3A_449 = arith.constant 5 : i32
      %add3A_450 = arith.addi %mul3A_295, %add3A_449 : i32
      %sub3A_451 = arith.constant 2 : i32
      %sub3A_452 = arith.subi %add3A_450, %sub3A_451 : i32
      %add3A_453 = arith.constant 8 : i32
      %add3A_454 = arith.addi %sub3A_452, %add3A_453 : i32
      %lt3A_455 = arith.constant 96 : i32
      %lt3A_456 = arith.cmpi slt, %add3A_454, %lt3A_455 : i32
      %convert_element_type3A_457 = arith.extui %lt3A_456 : i1 to i32
      %cond3A_458 = arith.constant 0 : i32
      %cond3A_459 = arith.cmpi ne, %convert_element_type3A_457, %cond3A_458 : i32
      scf.if %cond3A_459 {
        %mul3A_517 = arith.constant 8 : i32
        %mul3A_518 = arith.muli %sub3A_452, %mul3A_517 : i32
        %multiple_of3A_519 = tpu.assume_multiple %mul3A_518, 8 : i32
        %add3A_520 = arith.addi %mul3A_2, %multiple_of3A_519 : i32
        %dma_wait3A_521 = arith.constant 0 : i32
        %dma_wait3A_522 = tpu.memref_slice %arg4[%add3A_520, %dma_wait3A_521] : memref<24576x1024xf32, #tpu.memory_space<hbm>> -> memref<8x1024xf32, #tpu.memory_space<hbm>>
        %dma_wait3A_523 = arith.constant 0 : i32
        %dma_wait3A_524 = tpu.memref_slice %arg4[%add3A_520, %dma_wait3A_523] : memref<24576x1024xf32, #tpu.memory_space<hbm>> -> memref<8x1024xf32, #tpu.memory_space<hbm>>
        tpu.wait_dma2 semaphore(%arg25 : memref<!tpu.dma_semaphore, #tpu.memory_space<semaphore_mem>>) src(%arg9 : memref<8x1024xf32, #tpu.memory_space<vmem>>) dst(%dma_wait3A_524 : memref<8x1024xf32, #tpu.memory_space<hbm>>)
        %add3A_525 = arith.constant 8 : i32
        %add3A_526 = arith.addi %sub3A_452, %add3A_525 : i32
        %mul3A_527 = arith.constant 8 : i32
        %mul3A_528 = arith.muli %add3A_526, %mul3A_527 : i32
        %multiple_of3A_529 = tpu.assume_multiple %mul3A_528, 8 : i32
        %dma_start3A_530 = tpu.memref_slice %arg5[%multiple_of3A_529] : memref<768xi32, #tpu.memory_space<vmem>> -> memref<8xi32, #tpu.memory_space<vmem>>
        %dma_start3A_531 = arith.constant 0 : i32
        %dma_start3A_532 = arith.constant 0 : i32
        %dma_start3A_533 = tpu.memref_slice %arg3[%dma_start3A_531, %dma_start3A_532] : memref<8192x1024xf32, #tpu.memory_space<hbm>> -> memref<8192x1024xf32, #tpu.memory_space<hbm>>
        tpu.enqueue_indirect_dma source(%dma_start3A_533 : memref<8192x1024xf32, #tpu.memory_space<hbm>>) target(%arg9 : memref<8x1024xf32, #tpu.memory_space<vmem>>) offsets(%dma_start3A_530 : memref<8xi32, #tpu.memory_space<vmem>>) semaphore(%arg17 : memref<!tpu.dma_semaphore, #tpu.memory_space<semaphore_mem>>)
      } else {
      }
      %add3A_460 = arith.constant 6 : i32
      %add3A_461 = arith.addi %mul3A_295, %add3A_460 : i32
      %mul3A_462 = arith.constant 8 : i32
      %mul3A_463 = arith.muli %add3A_461, %mul3A_462 : i32
      %multiple_of3A_464 = tpu.assume_multiple %mul3A_463, 8 : i32
      %dma_wait3A_465 = tpu.memref_slice %arg5[%multiple_of3A_464] : memref<768xi32, #tpu.memory_space<vmem>> -> memref<8xi32, #tpu.memory_space<vmem>>
      %dma_wait3A_466 = arith.constant 0 : i32
      %dma_wait3A_467 = arith.constant 0 : i32
      %dma_wait3A_468 = tpu.memref_slice %arg3[%dma_wait3A_466, %dma_wait3A_467] : memref<8192x1024xf32, #tpu.memory_space<hbm>> -> memref<8192x1024xf32, #tpu.memory_space<hbm>>
      tpu.wait_indirect_dma semaphore(%arg20 : memref<!tpu.dma_semaphore, #tpu.memory_space<semaphore_mem>>) src(%dma_wait3A_468 : memref<8192x1024xf32, #tpu.memory_space<hbm>>) dst(%arg12 : memref<8x1024xf32, #tpu.memory_space<vmem>>)
      %mul3A_469 = arith.constant 8 : i32
      %mul3A_470 = arith.muli %add3A_461, %mul3A_469 : i32
      %multiple_of3A_471 = tpu.assume_multiple %mul3A_470, 8 : i32
      %add3A_472 = arith.addi %mul3A_2, %multiple_of3A_471 : i32
      %dma_start3A_473 = arith.constant 0 : i32
      %dma_start3A_474 = tpu.memref_slice %arg4[%add3A_472, %dma_start3A_473] : memref<24576x1024xf32, #tpu.memory_space<hbm>> -> memref<8x1024xf32, #tpu.memory_space<hbm>>
      %dma_start3A_475 = arith.constant 0 : i32
      %dma_start3A_476 = tpu.memref_slice %arg4[%add3A_472, %dma_start3A_475] : memref<24576x1024xf32, #tpu.memory_space<hbm>> -> memref<8x1024xf32, #tpu.memory_space<hbm>>
      tpu.enqueue_dma source(%arg12 : memref<8x1024xf32, #tpu.memory_space<vmem>>) target(%dma_start3A_476 : memref<8x1024xf32, #tpu.memory_space<hbm>>) target_semaphore(%arg28 : memref<!tpu.dma_semaphore, #tpu.memory_space<semaphore_mem>>)
      %add3A_477 = arith.constant 6 : i32
      %add3A_478 = arith.addi %mul3A_295, %add3A_477 : i32
      %sub3A_479 = arith.constant 2 : i32
      %sub3A_480 = arith.subi %add3A_478, %sub3A_479 : i32
      %add3A_481 = arith.constant 8 : i32
      %add3A_482 = arith.addi %sub3A_480, %add3A_481 : i32
      %lt3A_483 = arith.constant 96 : i32
      %lt3A_484 = arith.cmpi slt, %add3A_482, %lt3A_483 : i32
      %convert_element_type3A_485 = arith.extui %lt3A_484 : i1 to i32
      %cond3A_486 = arith.constant 0 : i32
      %cond3A_487 = arith.cmpi ne, %convert_element_type3A_485, %cond3A_486 : i32
      scf.if %cond3A_487 {
        %mul3A_517 = arith.constant 8 : i32
        %mul3A_518 = arith.muli %sub3A_480, %mul3A_517 : i32
        %multiple_of3A_519 = tpu.assume_multiple %mul3A_518, 8 : i32
        %add3A_520 = arith.addi %mul3A_2, %multiple_of3A_519 : i32
        %dma_wait3A_521 = arith.constant 0 : i32
        %dma_wait3A_522 = tpu.memref_slice %arg4[%add3A_520, %dma_wait3A_521] : memref<24576x1024xf32, #tpu.memory_space<hbm>> -> memref<8x1024xf32, #tpu.memory_space<hbm>>
        %dma_wait3A_523 = arith.constant 0 : i32
        %dma_wait3A_524 = tpu.memref_slice %arg4[%add3A_520, %dma_wait3A_523] : memref<24576x1024xf32, #tpu.memory_space<hbm>> -> memref<8x1024xf32, #tpu.memory_space<hbm>>
        tpu.wait_dma2 semaphore(%arg26 : memref<!tpu.dma_semaphore, #tpu.memory_space<semaphore_mem>>) src(%arg10 : memref<8x1024xf32, #tpu.memory_space<vmem>>) dst(%dma_wait3A_524 : memref<8x1024xf32, #tpu.memory_space<hbm>>)
        %add3A_525 = arith.constant 8 : i32
        %add3A_526 = arith.addi %sub3A_480, %add3A_525 : i32
        %mul3A_527 = arith.constant 8 : i32
        %mul3A_528 = arith.muli %add3A_526, %mul3A_527 : i32
        %multiple_of3A_529 = tpu.assume_multiple %mul3A_528, 8 : i32
        %dma_start3A_530 = tpu.memref_slice %arg5[%multiple_of3A_529] : memref<768xi32, #tpu.memory_space<vmem>> -> memref<8xi32, #tpu.memory_space<vmem>>
        %dma_start3A_531 = arith.constant 0 : i32
        %dma_start3A_532 = arith.constant 0 : i32
        %dma_start3A_533 = tpu.memref_slice %arg3[%dma_start3A_531, %dma_start3A_532] : memref<8192x1024xf32, #tpu.memory_space<hbm>> -> memref<8192x1024xf32, #tpu.memory_space<hbm>>
        tpu.enqueue_indirect_dma source(%dma_start3A_533 : memref<8192x1024xf32, #tpu.memory_space<hbm>>) target(%arg10 : memref<8x1024xf32, #tpu.memory_space<vmem>>) offsets(%dma_start3A_530 : memref<8xi32, #tpu.memory_space<vmem>>) semaphore(%arg18 : memref<!tpu.dma_semaphore, #tpu.memory_space<semaphore_mem>>)
      } else {
      }
      %add3A_488 = arith.constant 7 : i32
      %add3A_489 = arith.addi %mul3A_295, %add3A_488 : i32
      %mul3A_490 = arith.constant 8 : i32
      %mul3A_491 = arith.muli %add3A_489, %mul3A_490 : i32
      %multiple_of3A_492 = tpu.assume_multiple %mul3A_491, 8 : i32
      %dma_wait3A_493 = tpu.memref_slice %arg5[%multiple_of3A_492] : memref<768xi32, #tpu.memory_space<vmem>> -> memref<8xi32, #tpu.memory_space<vmem>>
      %dma_wait3A_494 = arith.constant 0 : i32
      %dma_wait3A_495 = arith.constant 0 : i32
      %dma_wait3A_496 = tpu.memref_slice %arg3[%dma_wait3A_494, %dma_wait3A_495] : memref<8192x1024xf32, #tpu.memory_space<hbm>> -> memref<8192x1024xf32, #tpu.memory_space<hbm>>
      tpu.wait_indirect_dma semaphore(%arg21 : memref<!tpu.dma_semaphore, #tpu.memory_space<semaphore_mem>>) src(%dma_wait3A_496 : memref<8192x1024xf32, #tpu.memory_space<hbm>>) dst(%arg13 : memref<8x1024xf32, #tpu.memory_space<vmem>>)
      %mul3A_497 = arith.constant 8 : i32
      %mul3A_498 = arith.muli %add3A_489, %mul3A_497 : i32
      %multiple_of3A_499 = tpu.assume_multiple %mul3A_498, 8 : i32
      %add3A_500 = arith.addi %mul3A_2, %multiple_of3A_499 : i32
      %dma_start3A_501 = arith.constant 0 : i32
      %dma_start3A_502 = tpu.memref_slice %arg4[%add3A_500, %dma_start3A_501] : memref<24576x1024xf32, #tpu.memory_space<hbm>> -> memref<8x1024xf32, #tpu.memory_space<hbm>>
      %dma_start3A_503 = arith.constant 0 : i32
      %dma_start3A_504 = tpu.memref_slice %arg4[%add3A_500, %dma_start3A_503] : memref<24576x1024xf32, #tpu.memory_space<hbm>> -> memref<8x1024xf32, #tpu.memory_space<hbm>>
      tpu.enqueue_dma source(%arg13 : memref<8x1024xf32, #tpu.memory_space<vmem>>) target(%dma_start3A_504 : memref<8x1024xf32, #tpu.memory_space<hbm>>) target_semaphore(%arg29 : memref<!tpu.dma_semaphore, #tpu.memory_space<semaphore_mem>>)
      %add3A_505 = arith.constant 7 : i32
      %add3A_506 = arith.addi %mul3A_295, %add3A_505 : i32
      %sub3A_507 = arith.constant 2 : i32
      %sub3A_508 = arith.subi %add3A_506, %sub3A_507 : i32
      %add3A_509 = arith.constant 8 : i32
      %add3A_510 = arith.addi %sub3A_508, %add3A_509 : i32
      %lt3A_511 = arith.constant 96 : i32
      %lt3A_512 = arith.cmpi slt, %add3A_510, %lt3A_511 : i32
      %convert_element_type3A_513 = arith.extui %lt3A_512 : i1 to i32
      %cond3A_514 = arith.constant 0 : i32
      %cond3A_515 = arith.cmpi ne, %convert_element_type3A_513, %cond3A_514 : i32
      scf.if %cond3A_515 {
        %mul3A_517 = arith.constant 8 : i32
        %mul3A_518 = arith.muli %sub3A_508, %mul3A_517 : i32
        %multiple_of3A_519 = tpu.assume_multiple %mul3A_518, 8 : i32
        %add3A_520 = arith.addi %mul3A_2, %multiple_of3A_519 : i32
        %dma_wait3A_521 = arith.constant 0 : i32
        %dma_wait3A_522 = tpu.memref_slice %arg4[%add3A_520, %dma_wait3A_521] : memref<24576x1024xf32, #tpu.memory_space<hbm>> -> memref<8x1024xf32, #tpu.memory_space<hbm>>
        %dma_wait3A_523 = arith.constant 0 : i32
        %dma_wait3A_524 = tpu.memref_slice %arg4[%add3A_520, %dma_wait3A_523] : memref<24576x1024xf32, #tpu.memory_space<hbm>> -> memref<8x1024xf32, #tpu.memory_space<hbm>>
        tpu.wait_dma2 semaphore(%arg27 : memref<!tpu.dma_semaphore, #tpu.memory_space<semaphore_mem>>) src(%arg11 : memref<8x1024xf32, #tpu.memory_space<vmem>>) dst(%dma_wait3A_524 : memref<8x1024xf32, #tpu.memory_space<hbm>>)
        %add3A_525 = arith.constant 8 : i32
        %add3A_526 = arith.addi %sub3A_508, %add3A_525 : i32
        %mul3A_527 = arith.constant 8 : i32
        %mul3A_528 = arith.muli %add3A_526, %mul3A_527 : i32
        %multiple_of3A_529 = tpu.assume_multiple %mul3A_528, 8 : i32
        %dma_start3A_530 = tpu.memref_slice %arg5[%multiple_of3A_529] : memref<768xi32, #tpu.memory_space<vmem>> -> memref<8xi32, #tpu.memory_space<vmem>>
        %dma_start3A_531 = arith.constant 0 : i32
        %dma_start3A_532 = arith.constant 0 : i32
        %dma_start3A_533 = tpu.memref_slice %arg3[%dma_start3A_531, %dma_start3A_532] : memref<8192x1024xf32, #tpu.memory_space<hbm>> -> memref<8192x1024xf32, #tpu.memory_space<hbm>>
        tpu.enqueue_indirect_dma source(%dma_start3A_533 : memref<8192x1024xf32, #tpu.memory_space<hbm>>) target(%arg11 : memref<8x1024xf32, #tpu.memory_space<vmem>>) offsets(%dma_start3A_530 : memref<8xi32, #tpu.memory_space<vmem>>) semaphore(%arg19 : memref<!tpu.dma_semaphore, #tpu.memory_space<semaphore_mem>>)
      } else {
      }
      %scan3A_516 = arith.constant 0 : i32
      scf.yield %scan3A_516 : i32
    }
    %scan3A_235 = arith.constant 11 : i32
    %multiple_of3A_236 = arith.constant 704 : i32
    %multiple_of3A_237 = tpu.assume_multiple %multiple_of3A_236, 8 : i32
    %add3A_238 = arith.addi %mul3A_2, %multiple_of3A_237 : i32
    %dma_wait3A_239 = arith.constant 0 : i32
    %dma_wait3A_240 = tpu.memref_slice %arg4[%add3A_238, %dma_wait3A_239] : memref<24576x1024xf32, #tpu.memory_space<hbm>> -> memref<8x1024xf32, #tpu.memory_space<hbm>>
    %dma_wait3A_241 = arith.constant 0 : i32
    %dma_wait3A_242 = tpu.memref_slice %arg4[%add3A_238, %dma_wait3A_241] : memref<24576x1024xf32, #tpu.memory_space<hbm>> -> memref<8x1024xf32, #tpu.memory_space<hbm>>
    tpu.wait_dma2 semaphore(%arg22 : memref<!tpu.dma_semaphore, #tpu.memory_space<semaphore_mem>>) src(%arg6 : memref<8x1024xf32, #tpu.memory_space<vmem>>) dst(%dma_wait3A_242 : memref<8x1024xf32, #tpu.memory_space<hbm>>)
    %multiple_of3A_243 = arith.constant 712 : i32
    %multiple_of3A_244 = tpu.assume_multiple %multiple_of3A_243, 8 : i32
    %add3A_245 = arith.addi %mul3A_2, %multiple_of3A_244 : i32
    %dma_wait3A_246 = arith.constant 0 : i32
    %dma_wait3A_247 = tpu.memref_slice %arg4[%add3A_245, %dma_wait3A_246] : memref<24576x1024xf32, #tpu.memory_space<hbm>> -> memref<8x1024xf32, #tpu.memory_space<hbm>>
    %dma_wait3A_248 = arith.constant 0 : i32
    %dma_wait3A_249 = tpu.memref_slice %arg4[%add3A_245, %dma_wait3A_248] : memref<24576x1024xf32, #tpu.memory_space<hbm>> -> memref<8x1024xf32, #tpu.memory_space<hbm>>
    tpu.wait_dma2 semaphore(%arg23 : memref<!tpu.dma_semaphore, #tpu.memory_space<semaphore_mem>>) src(%arg7 : memref<8x1024xf32, #tpu.memory_space<vmem>>) dst(%dma_wait3A_249 : memref<8x1024xf32, #tpu.memory_space<hbm>>)
    %multiple_of3A_250 = arith.constant 720 : i32
    %multiple_of3A_251 = tpu.assume_multiple %multiple_of3A_250, 8 : i32
    %add3A_252 = arith.addi %mul3A_2, %multiple_of3A_251 : i32
    %dma_wait3A_253 = arith.constant 0 : i32
    %dma_wait3A_254 = tpu.memref_slice %arg4[%add3A_252, %dma_wait3A_253] : memref<24576x1024xf32, #tpu.memory_space<hbm>> -> memref<8x1024xf32, #tpu.memory_space<hbm>>
    %dma_wait3A_255 = arith.constant 0 : i32
    %dma_wait3A_256 = tpu.memref_slice %arg4[%add3A_252, %dma_wait3A_255] : memref<24576x1024xf32, #tpu.memory_space<hbm>> -> memref<8x1024xf32, #tpu.memory_space<hbm>>
    tpu.wait_dma2 semaphore(%arg24 : memref<!tpu.dma_semaphore, #tpu.memory_space<semaphore_mem>>) src(%arg8 : memref<8x1024xf32, #tpu.memory_space<vmem>>) dst(%dma_wait3A_256 : memref<8x1024xf32, #tpu.memory_space<hbm>>)
    %multiple_of3A_257 = arith.constant 728 : i32
    %multiple_of3A_258 = tpu.assume_multiple %multiple_of3A_257, 8 : i32
    %add3A_259 = arith.addi %mul3A_2, %multiple_of3A_258 : i32
    %dma_wait3A_260 = arith.constant 0 : i32
    %dma_wait3A_261 = tpu.memref_slice %arg4[%add3A_259, %dma_wait3A_260] : memref<24576x1024xf32, #tpu.memory_space<hbm>> -> memref<8x1024xf32, #tpu.memory_space<hbm>>
    %dma_wait3A_262 = arith.constant 0 : i32
    %dma_wait3A_263 = tpu.memref_slice %arg4[%add3A_259, %dma_wait3A_262] : memref<24576x1024xf32, #tpu.memory_space<hbm>> -> memref<8x1024xf32, #tpu.memory_space<hbm>>
    tpu.wait_dma2 semaphore(%arg25 : memref<!tpu.dma_semaphore, #tpu.memory_space<semaphore_mem>>) src(%arg9 : memref<8x1024xf32, #tpu.memory_space<vmem>>) dst(%dma_wait3A_263 : memref<8x1024xf32, #tpu.memory_space<hbm>>)
    %multiple_of3A_264 = arith.constant 736 : i32
    %multiple_of3A_265 = tpu.assume_multiple %multiple_of3A_264, 8 : i32
    %add3A_266 = arith.addi %mul3A_2, %multiple_of3A_265 : i32
    %dma_wait3A_267 = arith.constant 0 : i32
    %dma_wait3A_268 = tpu.memref_slice %arg4[%add3A_266, %dma_wait3A_267] : memref<24576x1024xf32, #tpu.memory_space<hbm>> -> memref<8x1024xf32, #tpu.memory_space<hbm>>
    %dma_wait3A_269 = arith.constant 0 : i32
    %dma_wait3A_270 = tpu.memref_slice %arg4[%add3A_266, %dma_wait3A_269] : memref<24576x1024xf32, #tpu.memory_space<hbm>> -> memref<8x1024xf32, #tpu.memory_space<hbm>>
    tpu.wait_dma2 semaphore(%arg26 : memref<!tpu.dma_semaphore, #tpu.memory_space<semaphore_mem>>) src(%arg10 : memref<8x1024xf32, #tpu.memory_space<vmem>>) dst(%dma_wait3A_270 : memref<8x1024xf32, #tpu.memory_space<hbm>>)
    %multiple_of3A_271 = arith.constant 744 : i32
    %multiple_of3A_272 = tpu.assume_multiple %multiple_of3A_271, 8 : i32
    %add3A_273 = arith.addi %mul3A_2, %multiple_of3A_272 : i32
    %dma_wait3A_274 = arith.constant 0 : i32
    %dma_wait3A_275 = tpu.memref_slice %arg4[%add3A_273, %dma_wait3A_274] : memref<24576x1024xf32, #tpu.memory_space<hbm>> -> memref<8x1024xf32, #tpu.memory_space<hbm>>
    %dma_wait3A_276 = arith.constant 0 : i32
    %dma_wait3A_277 = tpu.memref_slice %arg4[%add3A_273, %dma_wait3A_276] : memref<24576x1024xf32, #tpu.memory_space<hbm>> -> memref<8x1024xf32, #tpu.memory_space<hbm>>
    tpu.wait_dma2 semaphore(%arg27 : memref<!tpu.dma_semaphore, #tpu.memory_space<semaphore_mem>>) src(%arg11 : memref<8x1024xf32, #tpu.memory_space<vmem>>) dst(%dma_wait3A_277 : memref<8x1024xf32, #tpu.memory_space<hbm>>)
    %multiple_of3A_278 = arith.constant 752 : i32
    %multiple_of3A_279 = tpu.assume_multiple %multiple_of3A_278, 8 : i32
    %add3A_280 = arith.addi %mul3A_2, %multiple_of3A_279 : i32
    %dma_wait3A_281 = arith.constant 0 : i32
    %dma_wait3A_282 = tpu.memref_slice %arg4[%add3A_280, %dma_wait3A_281] : memref<24576x1024xf32, #tpu.memory_space<hbm>> -> memref<8x1024xf32, #tpu.memory_space<hbm>>
    %dma_wait3A_283 = arith.constant 0 : i32
    %dma_wait3A_284 = tpu.memref_slice %arg4[%add3A_280, %dma_wait3A_283] : memref<24576x1024xf32, #tpu.memory_space<hbm>> -> memref<8x1024xf32, #tpu.memory_space<hbm>>
    tpu.wait_dma2 semaphore(%arg28 : memref<!tpu.dma_semaphore, #tpu.memory_space<semaphore_mem>>) src(%arg12 : memref<8x1024xf32, #tpu.memory_space<vmem>>) dst(%dma_wait3A_284 : memref<8x1024xf32, #tpu.memory_space<hbm>>)
    %multiple_of3A_285 = arith.constant 760 : i32
    %multiple_of3A_286 = tpu.assume_multiple %multiple_of3A_285, 8 : i32
    %add3A_287 = arith.addi %mul3A_2, %multiple_of3A_286 : i32
    %dma_wait3A_288 = arith.constant 0 : i32
    %dma_wait3A_289 = tpu.memref_slice %arg4[%add3A_287, %dma_wait3A_288] : memref<24576x1024xf32, #tpu.memory_space<hbm>> -> memref<8x1024xf32, #tpu.memory_space<hbm>>
    %dma_wait3A_290 = arith.constant 0 : i32
    %dma_wait3A_291 = tpu.memref_slice %arg4[%add3A_287, %dma_wait3A_290] : memref<24576x1024xf32, #tpu.memory_space<hbm>> -> memref<8x1024xf32, #tpu.memory_space<hbm>>
    tpu.wait_dma2 semaphore(%arg29 : memref<!tpu.dma_semaphore, #tpu.memory_space<semaphore_mem>>) src(%arg13 : memref<8x1024xf32, #tpu.memory_space<vmem>>) dst(%dma_wait3A_291 : memref<8x1024xf32, #tpu.memory_space<hbm>>)
    return
  }
}

</mosaic_0001>

<sc_bundles>
// kernel: _embed_gather.3.cloned.1.call-start
scs
__scs_entry_jumppad:
0x0: {  	(pc) =	sbr.rel $0x88, $3  }
0x1: {  	(tag) =	ssettag $0x0;
	lr =	simm.s32 $0x1  }
0x2: {  	[smem:$0x3F9F] =	sst lr;
	_ =	strace $0xD0000000  }
0x3: {  	_ = 	snop  }
0x4: {  	_ = 	snop  }
0x5: {  	_ = 	snop  }
0x6: {  	_ = 	snop  }
0x7: {  	_ = 	snop  }
__scs_overlays_trampoline_lowered:
0x8: {  	[smem:$0x3FAE] =	sst s0  }
0x9: {  	[smem:$0x3FAF] =	sst s1  }
0xa: {  	[smem:$0x3FB0] =	sst s2  }
0xb: {  	[smem:$0x3FB1] =	sst s3  }
0xc: {  	[smem:$0x3FB2] =	sst s4  }
0xd: {  	[smem:$0x3FB3] =	sst s5  }
0xe: {  	[smem:$0x3FB4] =	sst s6  }
0xf: {  	[smem:$0x3FB5] =	sst s7  }
0x10: {  	[smem:$0x3FB6] =	sst s8  }
0x11: {  	[smem:$0x3FB7] =	sst s9;
	s0 =	simm.s32 @!p0 $0x0  }
0x12: {  	s1 =	sld [smem:$0x3F9D];
	s0 =	simm.s32 @p0 $0x1  }
0x13: {  	[smem:$0x3FB8] =	sst s0;
	s0 =	simm.s32 @!p1 $0x0  }
0x14: {  	s2 =	sld [smem:$0x3F9C];
	s0 =	simm.s32 @p1 $0x1  }
0x15: {  	[smem:$0x3FB9] =	sst s0;
	s0 =	simm.s32 @!p2 $0x0  }
0x16: {  	s3 =	sld [smem:$0x3FDB];
	s0 =	simm.s32 @p2 $0x1  }
0x17: {  	s4 =	simm.s32 $0x1BF5;
	[smem:$0x3FBB] =	sst s0  }
0x18: {  	s0 =	sld [smem:$0x3F9E];
	_ =	swait.ge [sflag:s4], $0x0  }
0x19: {  	s7 =	sld [smem:$0x3F9F]  }
0x1a: {  	s8 =	sadd.s32 $0xFFFFE003, lr  }
0x1b: {  	s9 =	sadd.s32 $0xFFFFFEF7, lr;
	s5 =	simm.s32 $0xFFFFFFFF;
	p2 =	slt.u32 s8, $0xFFFFF086  }
0x1c: {  	p1 =	slt.u32 s9, $0xF7A;
	s5 =	simm.s32 @!p2 $0x0  }
0x1d: {  	s5 =	simm.s32 @p1 $0x1;
	p0 =	seq.s32 s7, s2  }
0x1e: {  	s7 =	smul.u32 @!p0 $0xF7A, s2;
	p2 =	seq.s32 @!p0 s5, $0x0  }
0x1f: {  	s9 =	smul.u32 $0xF7A, s1;
	s8 =	simm.s32 @!p0 $0x1BF5;
	p2 =	por !p2, p0  }
0x20: {  	[sflag:s8] =	ssyncset.s32 @!p0 $0xFFFFF086;
	s6 =	sadd.s32 @!p0 s3, s7;
	s7 =	simm.s32 @!p0 $0x108  }
0x21: {  	s3 =	sadd.s32 s3, s9;
	s6 =	sadd.s32 @!p0 $0x88, s6;
	s7 =	simm.s32 @p2 $0x1082  }
0x22: {  	[simem:s7], [sflag:s8] =	dma.local @!p0 [hbm:s6], $0xF7A  }
0x23: {  	s9 =	sor.u32 $0xD0000000, s2;
	s6 =	simm.s32 $0x108;
	_ =	swait.ge @!p0 [sflag:s8], $0x0  }
0x24: {  	s3 =	sadd.s32 $0x88, s3;
	s6 =	simm.s32 @!p1 $0x1082;
	[sflag:s4] =	ssyncset.s32 $0xFFFFF086  }
0x25: {  	[simem:s6], [sflag:s4] =	dma.local [hbm:s3], $0xF7A  }
0x26: {  	[smem:$0x3F9F] =	sst s1;
	(tag) =	ssettag s2;
	_ =	strace s9  }
0x27: {  	s1 =	sld [smem:$0x3FAF]  }
0x28: {  	s2 =	sld [smem:$0x3FB0]  }
0x29: {  	s4 =	sld [smem:$0x3FB2]  }
0x2a: {  	p0 =	seq.s32 s5, $0x0;
	s5 =	sld [smem:$0x3FB3]  }
0x2b: {  	s6 =	sld [smem:$0x3FB4]  }
0x2c: {  	s7 =	sld [smem:$0x3FB5]  }
0x2d: {  	s3 =	simm.s32 $0x108;
	s8 =	sld [smem:$0x3FB6]  }
0x2e: {  	s3 =	simm.s32 @!p0 $0x1082;
	s9 =	sld [smem:$0x3FB7]  }
0x2f: {  	lr =	sadd.s32 s0, s3;
	s0 =	sld [smem:$0x3FAE]  }
0x30: {  	s3 =	sld [smem:$0x3FB1]  }
0x31: {  	[smem:$0x3FBA] =	sst s10  }
0x32: {  	s10 =	sld [smem:$0x3FB8];
	_ =	sdelay $0x3  }
0x33: {  	p0 =	seq.s32 s10, $0x1;
	s10 =	sld [smem:$0x3FBA];
	_ =	sdelay $0x3  }
0x34: {  	[smem:$0x3FBA] =	sst s10  }
0x35: {  	s10 =	sld [smem:$0x3FB9];
	_ =	sdelay $0x3  }
0x36: {  	p1 =	seq.s32 s10, $0x1;
	s10 =	sld [smem:$0x3FBA];
	_ =	sdelay $0x3  }
0x37: {  	[smem:$0x3FBA] =	sst s10  }
0x38: {  	s10 =	sld [smem:$0x3FBB]  }
0x39: {  	_ = 	snop;
	(pc) =	sbr.ind lr, $3  }
0x3a: {  	_ = 	snop  }
0x3b: {  	_ = 	snop  }
0x3c: {  	p2 =	seq.s32 s10, $0x1;
	s10 =	sld [smem:$0x3FBA]  }
0x3d: {  	_ =	shalt  }
0x3e: {  	_ =	shalt  }
0x3f: {  	_ =	shalt  }
0x40: {  	_ =	shalt  }
0x41: {  	_ =	shalt  }
0x42: {  	_ =	shalt  }
0x43: {  	_ =	shalt  }
0x44: {  	_ =	shalt  }
0x45: {  	_ =	shalt  }
0x46: {  	_ =	shalt  }
0x47: {  	_ =	shalt  }
0x48: {  	_ =	shalt  }
0x49: {  	_ =	shalt  }
0x4a: {  	_ =	shalt  }
0x4b: {  	_ =	shalt  }
0x4c: {  	_ =	shalt  }
0x4d: {  	_ =	shalt  }
0x4e: {  	_ =	shalt  }
0x4f: {  	_ =	shalt  }
0x50: {  	_ =	shalt  }
0x51: {  	_ =	shalt  }
0x52: {  	_ =	shalt  }
0x53: {  	_ =	shalt  }
0x54: {  	_ =	shalt  }
0x55: {  	_ =	shalt  }
0x56: {  	_ =	shalt  }
0x57: {  	_ =	shalt  }
0x58: {  	_ =	shalt  }
0x59: {  	_ =	shalt  }
0x5a: {  	_ =	shalt  }
0x5b: {  	_ =	shalt  }
0x5c: {  	_ =	shalt  }
0x5d: {  	_ =	shalt  }
0x5e: {  	_ =	shalt  }
0x5f: {  	_ =	shalt  }
0x60: {  	_ =	shalt  }
0x61: {  	_ =	shalt  }
0x62: {  	_ =	shalt  }
0x63: {  	_ =	shalt  }
0x64: {  	_ =	shalt  }
0x65: {  	_ =	shalt  }
0x66: {  	_ =	shalt  }
0x67: {  	_ =	shalt  }
0x68: {  	_ =	shalt  }
0x69: {  	_ =	shalt  }
0x6a: {  	_ =	shalt  }
0x6b: {  	_ =	shalt  }
0x6c: {  	_ =	shalt  }
0x6d: {  	_ =	shalt  }
0x6e: {  	_ =	shalt  }
0x6f: {  	_ =	shalt  }
0x70: {  	_ =	shalt  }
0x71: {  	_ =	shalt  }
0x72: {  	_ =	shalt  }
0x73: {  	_ =	shalt  }
0x74: {  	_ =	shalt  }
0x75: {  	_ =	shalt  }
0x76: {  	_ =	shalt  }
0x77: {  	_ =	shalt  }
0x78: {  	_ =	shalt  }
0x79: {  	_ =	shalt  }
0x7a: {  	_ =	shalt  }
0x7b: {  	_ =	shalt  }
0x7c: {  	_ =	shalt  }
0x7d: {  	_ =	shalt  }
0x7e: {  	_ =	shalt  }
0x7f: {  	_ =	shalt  }
0x80: {  	_ =	shalt  }
0x81: {  	_ =	shalt  }
0x82: {  	_ =	shalt  }
0x83: {  	_ =	shalt  }
0x84: {  	_ =	shalt  }
0x85: {  	_ =	shalt  }
0x86: {  	_ =	shalt  }
0x87: {  	_ =	shalt  }
.Lfunc_end0:
.L_simem_size_0:
called_computation_lowered:
.L_overlay_start_0:
0x88: {  	s2 =	sld [smem:$0x3FD9]  }
0x89: {  	s3 =	sld [smem:$0x3FFE];
	_ =	sdelay $0x1  }
0x8a: {  	s1 =	srdreg.scid  }
0x8b: {  	s0 =	sand.u32 $0x1, s1  }
0x8c: {  	s18 =	sshll.u32 s0, $0xA;
	s2 =	sadd.s32 s3, s2  }
0x8d: {  	s2 =	sadd.s32 s2, s18  }
0x8e: {  	[smem:$0x3FC6] =	sst s2  }
0x8f: {  	_ = 	snop  }
0x90: {  	s2 =	sld [smem:$0x3FC9]  }
0x91: {  	s19 =	sld [smem:$0x3FC8]  }
0x92: {  	s4 =	sld [smem:$0x3FD0];
	(tm) =	ssettm $0x1  }
0x93: {  	s5 =	sld [smem:$0x3FFB];
	_ =	sdelay $0x3  }
0x94: {  	_ =	strace s5  }
0x95: {  	s5 =	sld [smem:$0x3FFC];
	_ =	sdelay $0x3  }
0x96: {  	_ =	strace s5  }
0x97: {  	s5 =	sld [smem:$0x3FFD];
	_ =	sdelay $0x3  }
0x98: {  	_ =	strace s5  }
0x99: {  	_ =	strace $0x8FFFFFFF  }
0x9a: {  	s20 =	sld [smem:$0x3FDB];
	_ =	sdelay $0x1  }
0x9b: {  	s6 =	simm.s32 $_scs_section_size  }
0x9c: {  	s7 =	simm.s32 $_size__tile_overlayer_lowered;
	s8 =	simm.s32 $_tile_overlayer_lowered  }
0x9d: {  	s23 =	simm.s32 $0x1BFF;
	s22 =	sshll.u32 s8, $0x1;
	s5 =	sadd.s32 s6, s20  }
0x9e: {  	s9 =	simm.s32 $0x0;
	s21 =	sshll.u32 s7, $0x1;
	s7 =	sadd.s32 s22, s5  }
0x9f: {  	[timem:s9], [sflag:s23] =	dma.local [hbm:s7], s21  }
0xa0: {  	_ =	swait.ge [sflag:s23], s21  }
0xa1: {  	s6 =	ssub.s32 $0x0, s21;
	[sflag:s23] =	ssyncset.done $0x0  }
0xa2: {  	[sflag:s23] =	ssyncadd.s32 s6;
	_ =	sdelay $0x1  }
0xa3: {  	s24 =	simm.s32 $0x1B8B  }
0xa4: {  	_ =	swait.ge [sflag:s24], $0x1  }
0xa5: {  	[sflag:s24] =	ssyncset.done $0x0  }
0xa6: {  	s25 =	simm.s32 $0x1B8E;
	[sflag:s24] =	ssyncadd.s32 $0xFFFFFFFF  }
0xa7: {  	s26 =	simm.s32 $execute0_lowered;
	[smem:$0x3FD2] =	sst s25  }
0xa8: {  	s6 =	sshll.u32 s26, $0x1;
	_ =	strace $0x80000046;
	[dreg:$0x1] =	wrdreg $0xFFFFFFFF  }
0xa9: {  	s28 =	simm.s32 $_size_execute0_lowered;
	s5 =	sadd.s32 s5, s6;
	[dreg:$0x0] =	wrdreg $0x0  }
0xaa: {  	s6 =	sshll.u32 s28, $0x1;
	[dreg:$0x2] =	wrdreg s5  }
0xab: {  	[dreg:$0x3] =	wrdreg s6  }
0xac: {  	[dreg:$0x4] =	wrdreg $0xC0  }
0xad: {  	_ =	task [dreg:s9], $0x5FFFF  }
0xae: {  	[dreg:$0x1] =	wrdreg $0xFFFFFFFF  }
0xaf: {  	[dreg:$0x0] =	wrdreg $0x60  }
0xb0: {  	[dreg:$0x2] =	wrdreg s2  }
0xb1: {  	[dreg:$0x3] =	wrdreg s19  }
0xb2: {  	[dreg:$0x4] =	wrdreg s4  }
0xb3: {  	[dreg:$0x5] =	wrdreg $0x9  }
0xb4: {  	_ =	task.clear_ibuf [dreg:s9], $0x6FFFF;
	_ =	strace $0x90000046  }
0xb5: {  	s29 =	simm.s32 $0x9;
	_ =	strace $0x80000048  }
0xb6: {  	_ =	swait.ge [sflag:s29], $0x1  }
0xb7: {  	[sflag:s29] =	ssyncadd.s32 $0xFFFFFFFF  }
0xb8: {  	_ =	strace $0x90000048  }
0xb9: {  	_ =	sfence  }
0xba: {  	s30 =	sld [smem:$0x0];
	_ =	sdelay $0x2  }
0xbb: {  	s31 =	sshll.u32 s1, $0xD;
	s1 =	sshrl.u32 s1, $0x2  }
0xbc: {  	s3 =	sand.u32 $0x4000, s31;
	s1 =	sadd.s32 s1, s30  }
0xbd: {  	s0 =	sor.u32 s3, s0;
	s1 =	sshll.u32 s1, $0x11  }
0xbe: {  	s0 =	sor.u32 s1, s0  }
0xbf: {  	s0 =	sadd.s32 $0x8F2B, s0  }
0xc0: {  	[sflag:s0] =	ssyncadd.remote.s32 $0x1  }
0xc1: {  	_ =	sfence.sel $0xFFFF  }
0xc2: {  	[dreg:$0x0] =	wrdreg $0xFFFFFFFF;
	(pc) =	sbr.abs _section_cstart, $3  }
0xc3: {  	[dreg:$0x1] =	wrdreg $0xFFFFFFFF  }
0xc4: {  	_ =	task.clear_ibuf [dreg:s9], $0x2FFFF;
	_ =	strace $0x9FFFFFFF  }
0xc5: {  	(tm) =	ssettm $0x7FFFFFFF  }
tec
execute0_lowered:
.L_overlay_start_1:
0x0: {  	(tag) =	ssettag $0x1  }
0x1: {  	s0 =	rddreg [dreg:$0x0]  }
0x2: {  	s2 =	rddreg [dreg:$0x1];
	s1 =	srdreg.scid  }
0x3: {  	s10 =	stileid.u32;
	s4 =	rddreg [dreg:$0x2];
	s3 =	simm.s32 $0x0  }
0x4: {  	s14 =	simm.s32 $0xE300;
	s1 =	sand.u32 $0x1, s1;
	s5 =	sshll.u32 s10, $0x1  }
0x5: {  	s28 =	simm.s32 $0x5;
	s5 =	sor.u32 s1, s5;
	s7 =	ssub.s32 $0x2, s1  }
0x6: {  	s31 =	simm.s32 $0x7;
	s6 =	smul.u32 $0x300, s5;
	s8 =	sshrl.u32 s7, $0x1  }
0x7: {  	[smem:$0x7FF] =	sst s3;
	s9 =	smul.u32 $0x18000, s5;
	s8 =	ssub.s32 s7, s8  }
0x8: {  	s13 =	simm.s32 $0x10;
	_ =	strace $0x80000047;
	s8 =	smax.u32 s8, $0x1  }
0x9: {  	s6 =	sshrl.u32 s6, $0x3;
	s11 =	sadd.s32 s4, s9;
	[dreg:$0xd] =	wrdreg s8  }
0xa: {  	s20 =	smul.u32 $0x600, s10;
	s0 =	sadd.s32 s0, s6;
	[dreg:$0x5] =	wrdreg s11  }
0xb: {  	s24 =	smul.u32 $0x180000, s10;
	s15 =	sadd.s32 $0x400, s11;
	[dreg:$0x4] =	wrdreg s0  }
0xc: {  	s10 =	smul.u32 $0x30000, s10;
	s16 =	sadd.s32 $0x800, s11;
	[dreg:$0x6] =	wrdreg s15  }
0xd: {  	s22 =	smul.u32 $0x300, s1;
	s17 =	sadd.s32 $0xC00, s11;
	[dreg:$0x7] =	wrdreg s16  }
0xe: {  	s25 =	smul.u32 $0xC0000, s1;
	s18 =	sadd.s32 $0x1000, s11;
	[dreg:$0x8] =	wrdreg s17  }
0xf: {  	s1 =	smul.u32 $0x18000, s1;
	s19 =	sadd.s32 $0x1400, s11;
	[dreg:$0x9] =	wrdreg s18  }
0x10: {  	s5 =	sadd.s32 $0x100, s2;
	s9 =	sadd.s32 $0x1800, s11;
	[dreg:$0xa] =	wrdreg s19  }
0x11: {  	s29 =	sadd.s32 s10, s4;
	s21 =	sadd.s32 $0x1C00, s11;
	[dreg:$0xb] =	wrdreg s9  }
0x12: {  	s10 =	simm.s32 $0xE;
	s23 =	sadd.s32 $0x16C00, s11;
	[dreg:$0xc] =	wrdreg s21  }
0x13: {  	s7 =	sadd.s32 $0x300, s2;
	s12 =	sadd.s32 $0x17400, s11;
	[dreg:$0x10] =	wrdreg s23  }
0x14: {  	s6 =	sadd.s32 $0x200, s2;
	s11 =	sadd.s32 $0x17C00, s11;
	[dreg:$0x11] =	wrdreg s12  }
0x15: {  	s8 =	sadd.s32 s25, s24;
	s0 =	sadd.s32 s22, s20;
	[dreg:$0xe] =	wrdreg s11  }
0x16: {  	s8 =	sor.u32 $0x10000, s8;
	s22 =	sadd.s32 s1, s29;
	s16 =	simm.s32 $0x8300  }
0x17: {  	s9 =	simm.s32 $0xC300;
	s12 =	simm.s32 $0x1;
	s19 =	simm.s32 $0x2  }
0x18: {  	s18 =	simm.s32 $0x9;
	s20 =	simm.s32 $0xA;
	s0 =	sshll.u32 s0, $0x7  }
.Ltmp0:
0x19: {  	s23 =	simm.s32 $0xB;
	s0 =	sadd.s32 s0, s4;
	(pc) =	sbr.rel .LBB2_1-.Ltmp0, $4  }
0x1a: {  	s1 =	simm.s32 $0xD;
	s11 =	simm.s32 $0xF;
	s26 =	sadd.s32 $0x3800, s0  }
0x1b: {  	v0 =	vlaneseq.u32;
	s30 =	sshrl.u32 s8, $0x3;
	s0 =	sadd.s32 $0x3C00, s0;
	[dreg:$0x12] =	wrdreg s26  }
0x1c: {  	v1 =	vshrl.u32 v0, $0x3;
	s8 =	simm.s32 $0x0;
	[dreg:$0xf] =	wrdreg s0;
	s0 =	sadd.s32 s30, s4  }
0x1d: {  	vm0 =	vmmov $0xffff;
	v0 =	vand.u32 $0x7, v0;
	v1 =	vmul.u32 $0x8, v1;
	s26 =	simm.s32 $0x3;
	[dreg:$0x13] =	wrdreg s0;
	s0 =	simm.s32 $0x8  }
.LBB2_4:
0x1e: {  	_ =	swait.ge [sflag:s0], $0x2000  }
0x1f: {  	[sflag:s0] =	ssyncset.done $0x0  }
0x20: {  	s18 =	simm.s32 $0x9;
	s4 =	rddreg [dreg:$0xe];
	[sflag:s0] =	ssyncadd.s32 $0xFFFFE000  }
0x21: {  	[hbm4b:s4+s3] =	stream.linear.scatter [tilespmem:s14], [sflag:$0x10], $0x2000, $0x38;
	[tilespmem:$0x10300] =	vst v63  }
0x22: {  	_ =	swait.ge [sflag:s18], $0x2000  }
0x23: {  	[sflag:s18] =	ssyncset.done $0x0  }
0x24: {  	s20 =	simm.s32 $0xA;
	[sflag:s18] =	ssyncadd.s32 $0xFFFFE000  }
0x25: {  	_ =	swait.ge [sflag:s20], $0x2000  }
0x26: {  	[sflag:s20] =	ssyncset.done $0x0  }
0x27: {  	s23 =	simm.s32 $0xB;
	[sflag:s20] =	ssyncadd.s32 $0xFFFFE000  }
0x28: {  	_ =	swait.ge [sflag:s23], $0x2000  }
0x29: {  	[sflag:s23] =	ssyncset.done $0x0  }
0x2a: {  	s29 =	simm.s32 $0xC;
	[sflag:s23] =	ssyncadd.s32 $0xFFFFE000  }
0x2b: {  	_ =	swait.ge [sflag:s29], $0x2000  }
0x2c: {  	[sflag:s29] =	ssyncset.done $0x0  }
0x2d: {  	[sflag:s29] =	ssyncadd.s32 $0xFFFFE000  }
0x2e: {  	_ =	swait.ge [sflag:s1], $0x2000  }
0x2f: {  	[sflag:s1] =	ssyncset.done $0x0  }
0x30: {  	[sflag:s1] =	ssyncadd.s32 $0xFFFFE000  }
0x31: {  	_ =	swait.ge [sflag:s10], $0x2000  }
0x32: {  	[sflag:s10] =	ssyncset.done $0x0  }
0x33: {  	[sflag:s10] =	ssyncadd.s32 $0xFFFFE000  }
0x34: {  	_ =	swait.ge [sflag:s11], $0x2000  }
0x35: {  	[sflag:s11] =	ssyncset.done $0x0  }
0x36: {  	[sflag:s11] =	ssyncadd.s32 $0xFFFFE000  }
0x37: {  	_ =	swait.ge [sflag:s13], $0x2000  }
0x38: {  	s8 =	rddreg [dreg:$0x14]  }
0x39: {  	s30 =	rddreg [dreg:$0xd];
	s8 =	sadd.s32 $0x1, s8  }
0x3a: {  	p0 =	sne.s32 s8, s30  }
.Ltmp1:
0x3b: {  	_ = 	snop;
	(pc) =	sbr.rel @!p0 .LBB2_5-.Ltmp1, $3  }
0x3c: {  	_ =	sdelay $0x1  }
0x3d: {  	[sflag:s13] =	ssyncset.done $0x0  }
0x3e: {  	[sflag:s13] =	ssyncadd.s32 $0xFFFFE000  }
.LBB2_1:
0x3f: {  	[dreg:$0x14] =	wrdreg s8  }
0x40: {  	s4 =	rddreg [dreg:$0x4];
	s17 =	simm.s32 $0x11  }
0x41: {  	[tilespmem:s3], [sflag:$0x11] =	stream.linear.gather [hbm4b:s4+s3], $0x300, $0x38;
	[tilespmem:$0x10300] =	vst v63  }
0x42: {  	_ =	swait.ge [sflag:s17], $0x300  }
0x43: {  	[sflag:s17] =	ssyncset.done $0x0  }
0x44: {  	[sflag:s17] =	ssyncadd.s32 $0xFFFFFD00  }
0x45: {  	v2 =	vld.msk [tilespmem:$0x0], $0xff;
	_ =	sdelay $0x4  }
0x46: {  	v3 =	vshll.u32 v2, $0x3  }
0x47: {  	v2 =	vand.u32 $0x7, v2;
	v3 =	vand.u32 $0xFFFFFFC0, v3  }
0x48: {  	v2 =	vor.u32 v2, v3  }
0x49: {  	v2 =	vperm.xlane v2, v0;
	_ =	sdelay $0x1  }
0x4a: {  	v2 =	vadd.s32 v1, v2;
	_ =	sdelay $0x3  }
0x4b: {  	s8 =	simm.s32 $0x300  }
0x4c: {  	[tilespmem:s8], [sflag:$0x1] =	stream.indirect_vreg.gather [hbm4b:s2+s3], $0x80, v2, vm0, $0xb8;
	[tilespmem:$0x10300] =	vst v63  }
0x4d: {  	s29 =	simm.s32 $0xB00  }
0x4e: {  	[tilespmem:s29], [sflag:$0x1] =	stream.indirect_vreg.gather [hbm4b:s5+s3], $0x80, v2, vm0, $0xb8;
	[tilespmem:$0x10300] =	vst v63  }
0x4f: {  	s30 =	simm.s32 $0x1300  }
0x50: {  	[tilespmem:s30], [sflag:$0x1] =	stream.indirect_vreg.gather [hbm4b:s6+s3], $0x80, v2, vm0, $0xb8;
	[tilespmem:$0x10300] =	vst v63  }
0x51: {  	s17 =	simm.s32 $0x1B00  }
0x52: {  	[tilespmem:s17], [sflag:$0x1] =	stream.indirect_vreg.gather [hbm4b:s7+s3], $0x80, v2, vm0, $0xb8;
	[tilespmem:$0x10300] =	vst v63  }
0x53: {  	v2 =	vld.msk [tilespmem:$0x8], $0xff;
	_ =	sdelay $0x4  }
0x54: {  	v3 =	vshll.u32 v2, $0x3  }
0x55: {  	v2 =	vand.u32 $0x7, v2;
	v3 =	vand.u32 $0xFFFFFFC0, v3  }
0x56: {  	v2 =	vor.u32 v2, v3  }
0x57: {  	v2 =	vperm.xlane v2, v0;
	_ =	sdelay $0x1  }
0x58: {  	v2 =	vadd.s32 v1, v2;
	_ =	sdelay $0x3  }
0x59: {  	s25 =	simm.s32 $0x2300  }
0x5a: {  	[tilespmem:s25], [sflag:$0x2] =	stream.indirect_vreg.gather [hbm4b:s2+s3], $0x80, v2, vm0, $0xb8;
	[tilespmem:$0x10300] =	vst v63  }
0x5b: {  	s21 =	simm.s32 $0x2B00  }
0x5c: {  	[tilespmem:s21], [sflag:$0x2] =	stream.indirect_vreg.gather [hbm4b:s5+s3], $0x80, v2, vm0, $0xb8;
	[tilespmem:$0x10300] =	vst v63  }
0x5d: {  	s24 =	simm.s32 $0x3300  }
0x5e: {  	[tilespmem:s24], [sflag:$0x2] =	stream.indirect_vreg.gather [hbm4b:s6+s3], $0x80, v2, vm0, $0xb8;
	[tilespmem:$0x10300] =	vst v63  }
0x5f: {  	s15 =	simm.s32 $0x3B00  }
0x60: {  	[tilespmem:s15], [sflag:$0x2] =	stream.indirect_vreg.gather [hbm4b:s7+s3], $0x80, v2, vm0, $0xb8;
	[tilespmem:$0x10300] =	vst v63  }
0x61: {  	v2 =	vld.msk [tilespmem:$0x10], $0xff;
	_ =	sdelay $0x4  }
0x62: {  	v3 =	vshll.u32 v2, $0x3  }
0x63: {  	v2 =	vand.u32 $0x7, v2;
	v3 =	vand.u32 $0xFFFFFFC0, v3  }
0x64: {  	v2 =	vor.u32 v2, v3  }
0x65: {  	v2 =	vperm.xlane v2, v0;
	_ =	sdelay $0x1  }
0x66: {  	v2 =	vadd.s32 v1, v2;
	_ =	sdelay $0x3  }
0x67: {  	s15 =	simm.s32 $0x4300  }
0x68: {  	[tilespmem:s15], [sflag:$0x3] =	stream.indirect_vreg.gather [hbm4b:s2+s3], $0x80, v2, vm0, $0xb8;
	[tilespmem:$0x10300] =	vst v63  }
0x69: {  	s21 =	simm.s32 $0x4B00  }
0x6a: {  	[tilespmem:s21], [sflag:$0x3] =	stream.indirect_vreg.gather [hbm4b:s5+s3], $0x80, v2, vm0, $0xb8;
	[tilespmem:$0x10300] =	vst v63  }
0x6b: {  	s24 =	simm.s32 $0x5300  }
0x6c: {  	[tilespmem:s24], [sflag:$0x3] =	stream.indirect_vreg.gather [hbm4b:s6+s3], $0x80, v2, vm0, $0xb8;
	[tilespmem:$0x10300] =	vst v63  }
0x6d: {  	s21 =	simm.s32 $0x5B00  }
0x6e: {  	[tilespmem:s21], [sflag:$0x3] =	stream.indirect_vreg.gather [hbm4b:s7+s3], $0x80, v2, vm0, $0xb8;
	[tilespmem:$0x10300] =	vst v63  }
0x6f: {  	v2 =	vld.msk [tilespmem:$0x18], $0xff;
	_ =	sdelay $0x4  }
0x70: {  	v3 =	vshll.u32 v2, $0x3  }
0x71: {  	v2 =	vand.u32 $0x7, v2;
	v3 =	vand.u32 $0xFFFFFFC0, v3  }
0x72: {  	v2 =	vor.u32 v2, v3  }
0x73: {  	v2 =	vperm.xlane v2, v0;
	_ =	sdelay $0x1  }
0x74: {  	v2 =	vadd.s32 v1, v2;
	_ =	sdelay $0x3  }
0x75: {  	s21 =	simm.s32 $0x6300  }
0x76: {  	[tilespmem:s21], [sflag:$0x4] =	stream.indirect_vreg.gather [hbm4b:s2+s3], $0x80, v2, vm0, $0xb8;
	[tilespmem:$0x10300] =	vst v63  }
0x77: {  	s24 =	simm.s32 $0x6B00  }
0x78: {  	[tilespmem:s24], [sflag:$0x4] =	stream.indirect_vreg.gather [hbm4b:s5+s3], $0x80, v2, vm0, $0xb8;
	[tilespmem:$0x10300] =	vst v63  }
0x79: {  	s24 =	simm.s32 $0x7300  }
0x7a: {  	[tilespmem:s24], [sflag:$0x4] =	stream.indirect_vreg.gather [hbm4b:s6+s3], $0x80, v2, vm0, $0xb8;
	[tilespmem:$0x10300] =	vst v63  }
0x7b: {  	s24 =	simm.s32 $0x7B00  }
0x7c: {  	[tilespmem:s24], [sflag:$0x4] =	stream.indirect_vreg.gather [hbm4b:s7+s3], $0x80, v2, vm0, $0xb8;
	[tilespmem:$0x10300] =	vst v63  }
0x7d: {  	v2 =	vld.msk [tilespmem:$0x20], $0xff;
	_ =	sdelay $0x4  }
0x7e: {  	v3 =	vshll.u32 v2, $0x3  }
0x7f: {  	v2 =	vand.u32 $0x7, v2;
	v3 =	vand.u32 $0xFFFFFFC0, v3  }
0x80: {  	v2 =	vor.u32 v2, v3  }
0x81: {  	v2 =	vperm.xlane v2, v0;
	_ =	sdelay $0x1  }
0x82: {  	v2 =	vadd.s32 v1, v2;
	_ =	sdelay $0x4  }
0x83: {  	[tilespmem:s16], [sflag:$0x5] =	stream.indirect_vreg.gather [hbm4b:s2+s3], $0x80, v2, vm0, $0xb8;
	[tilespmem:$0x10300] =	vst v63  }
0x84: {  	s24 =	simm.s32 $0x8B00  }
0x85: {  	[tilespmem:s24], [sflag:$0x5] =	stream.indirect_vreg.gather [hbm4b:s5+s3], $0x80, v2, vm0, $0xb8;
	[tilespmem:$0x10300] =	vst v63  }
0x86: {  	s24 =	simm.s32 $0x9300  }
0x87: {  	[tilespmem:s24], [sflag:$0x5] =	stream.indirect_vreg.gather [hbm4b:s6+s3], $0x80, v2, vm0, $0xb8;
	[tilespmem:$0x10300] =	vst v63  }
0x88: {  	s24 =	simm.s32 $0x9B00  }
0x89: {  	[tilespmem:s24], [sflag:$0x5] =	stream.indirect_vreg.gather [hbm4b:s7+s3], $0x80, v2, vm0, $0xb8;
	[tilespmem:$0x10300] =	vst v63  }
0x8a: {  	v2 =	vld.msk [tilespmem:$0x28], $0xff;
	_ =	sdelay $0x4  }
0x8b: {  	v3 =	vshll.u32 v2, $0x3  }
0x8c: {  	v2 =	vand.u32 $0x7, v2;
	v3 =	vand.u32 $0xFFFFFFC0, v3  }
0x8d: {  	v2 =	vor.u32 v2, v3  }
0x8e: {  	v2 =	vperm.xlane v2, v0;
	_ =	sdelay $0x1  }
0x8f: {  	v2 =	vadd.s32 v1, v2;
	_ =	sdelay $0x3  }
0x90: {  	s24 =	simm.s32 $0xA300  }
0x91: {  	[tilespmem:s24], [sflag:$0x6] =	stream.indirect_vreg.gather [hbm4b:s2+s3], $0x80, v2, vm0, $0xb8;
	[tilespmem:$0x10300] =	vst v63  }
0x92: {  	s4 =	simm.s32 $0xAB00  }
0x93: {  	[tilespmem:s4], [sflag:$0x6] =	stream.indirect_vreg.gather [hbm4b:s5+s3], $0x80, v2, vm0, $0xb8;
	[tilespmem:$0x10300] =	vst v63  }
0x94: {  	s4 =	simm.s32 $0xB300  }
0x95: {  	[tilespmem:s4], [sflag:$0x6] =	stream.indirect_vreg.gather [hbm4b:s6+s3], $0x80, v2, vm0, $0xb8;
	[tilespmem:$0x10300] =	vst v63  }
0x96: {  	s4 =	simm.s32 $0xBB00  }
0x97: {  	[tilespmem:s4], [sflag:$0x6] =	stream.indirect_vreg.gather [hbm4b:s7+s3], $0x80, v2, vm0, $0xb8;
	[tilespmem:$0x10300] =	vst v63  }
0x98: {  	v2 =	vld.msk [tilespmem:$0x30], $0xff;
	_ =	sdelay $0x4  }
0x99: {  	v3 =	vshll.u32 v2, $0x3  }
0x9a: {  	v2 =	vand.u32 $0x7, v2;
	v3 =	vand.u32 $0xFFFFFFC0, v3  }
0x9b: {  	v2 =	vor.u32 v2, v3  }
0x9c: {  	v2 =	vperm.xlane v2, v0;
	_ =	sdelay $0x1  }
0x9d: {  	v2 =	vadd.s32 v1, v2;
	_ =	sdelay $0x4  }
0x9e: {  	[tilespmem:s9], [sflag:$0x7] =	stream.indirect_vreg.gather [hbm4b:s2+s3], $0x80, v2, vm0, $0xb8;
	[tilespmem:$0x10300] =	vst v63  }
0x9f: {  	s4 =	simm.s32 $0xCB00  }
0xa0: {  	[tilespmem:s4], [sflag:$0x7] =	stream.indirect_vreg.gather [hbm4b:s5+s3], $0x80, v2, vm0, $0xb8;
	[tilespmem:$0x10300] =	vst v63  }
0xa1: {  	s4 =	simm.s32 $0xD300  }
0xa2: {  	[tilespmem:s4], [sflag:$0x7] =	stream.indirect_vreg.gather [hbm4b:s6+s3], $0x80, v2, vm0, $0xb8;
	[tilespmem:$0x10300] =	vst v63  }
0xa3: {  	s4 =	simm.s32 $0xDB00  }
0xa4: {  	[tilespmem:s4], [sflag:$0x7] =	stream.indirect_vreg.gather [hbm4b:s7+s3], $0x80, v2, vm0, $0xb8;
	[tilespmem:$0x10300] =	vst v63  }
0xa5: {  	v2 =	vld.msk [tilespmem:$0x38], $0xff;
	_ =	sdelay $0x4  }
0xa6: {  	v3 =	vshll.u32 v2, $0x3  }
0xa7: {  	v2 =	vand.u32 $0x7, v2;
	v3 =	vand.u32 $0xFFFFFFC0, v3  }
0xa8: {  	v2 =	vor.u32 v2, v3  }
0xa9: {  	v2 =	vperm.xlane v2, v0;
	_ =	sdelay $0x1  }
0xaa: {  	v2 =	vadd.s32 v1, v2;
	_ =	sdelay $0x4  }
0xab: {  	[tilespmem:s14], [sflag:$0x8] =	stream.indirect_vreg.gather [hbm4b:s2+s3], $0x80, v2, vm0, $0xb8;
	[tilespmem:$0x10300] =	vst v63  }
0xac: {  	s4 =	simm.s32 $0xEB00  }
0xad: {  	[tilespmem:s4], [sflag:$0x8] =	stream.indirect_vreg.gather [hbm4b:s5+s3], $0x80, v2, vm0, $0xb8;
	[tilespmem:$0x10300] =	vst v63  }
0xae: {  	s4 =	simm.s32 $0xF300  }
0xaf: {  	[tilespmem:s4], [sflag:$0x8] =	stream.indirect_vreg.gather [hbm4b:s6+s3], $0x80, v2, vm0, $0xb8;
	[tilespmem:$0x10300] =	vst v63  }
0xb0: {  	s4 =	simm.s32 $0xFB00  }
0xb1: {  	[tilespmem:s4], [sflag:$0x8] =	stream.indirect_vreg.gather [hbm4b:s7+s3], $0x80, v2, vm0, $0xb8;
	[tilespmem:$0x10300] =	vst v63  }
0xb2: {  	_ =	swait.ge [sflag:s12], $0x2000  }
0xb3: {  	[sflag:s12] =	ssyncset.done $0x0  }
0xb4: {  	s4 =	rddreg [dreg:$0x5];
	[sflag:s12] =	ssyncadd.s32 $0xFFFFE000  }
0xb5: {  	[hbm4b:s4+s3] =	stream.linear.scatter [tilespmem:s8], [sflag:$0x9], $0x2000, $0x38;
	[tilespmem:$0x10300] =	vst v63  }
0xb6: {  	_ =	swait.ge [sflag:s19], $0x2000  }
0xb7: {  	[sflag:s19] =	ssyncset.done $0x0  }
0xb8: {  	s4 =	rddreg [dreg:$0x6];
	[sflag:s19] =	ssyncadd.s32 $0xFFFFE000  }
0xb9: {  	[hbm4b:s4+s3] =	stream.linear.scatter [tilespmem:s25], [sflag:$0xA], $0x2000, $0x38;
	[tilespmem:$0x10300] =	vst v63  }
0xba: {  	_ =	swait.ge [sflag:s26], $0x2000  }
0xbb: {  	[sflag:s26] =	ssyncset.done $0x0  }
0xbc: {  	s4 =	rddreg [dreg:$0x7];
	[sflag:s26] =	ssyncadd.s32 $0xFFFFE000  }
0xbd: {  	[hbm4b:s4+s3] =	stream.linear.scatter [tilespmem:s15], [sflag:$0xB], $0x2000, $0x38;
	[tilespmem:$0x10300] =	vst v63  }
0xbe: {  	_ =	swait.ge [sflag:s18], $0x2000  }
0xbf: {  	[sflag:s18] =	ssyncset.done $0x0  }
0xc0: {  	[sflag:s18] =	ssyncadd.s32 $0xFFFFE000  }
0xc1: {  	v2 =	vld.msk [tilespmem:$0x40], $0xff;
	_ =	sdelay $0x4  }
0xc2: {  	v3 =	vshll.u32 v2, $0x3  }
0xc3: {  	v2 =	vand.u32 $0x7, v2;
	v3 =	vand.u32 $0xFFFFFFC0, v3  }
0xc4: {  	v2 =	vor.u32 v2, v3  }
0xc5: {  	v2 =	vperm.xlane v2, v0;
	_ =	sdelay $0x1  }
0xc6: {  	v2 =	vadd.s32 v1, v2;
	_ =	sdelay $0x4  }
0xc7: {  	[tilespmem:s8], [sflag:$0x1] =	stream.indirect_vreg.gather [hbm4b:s2+s3], $0x80, v2, vm0, $0xb8;
	[tilespmem:$0x10300] =	vst v63  }
0xc8: {  	_ = 	snop  }
0xc9: {  	[tilespmem:s29], [sflag:$0x1] =	stream.indirect_vreg.gather [hbm4b:s5+s3], $0x80, v2, vm0, $0xb8;
	[tilespmem:$0x10300] =	vst v63  }
0xca: {  	_ = 	snop  }
0xcb: {  	[tilespmem:s30], [sflag:$0x1] =	stream.indirect_vreg.gather [hbm4b:s6+s3], $0x80, v2, vm0, $0xb8;
	[tilespmem:$0x10300] =	vst v63  }
0xcc: {  	_ = 	snop  }
0xcd: {  	[tilespmem:s17], [sflag:$0x1] =	stream.indirect_vreg.gather [hbm4b:s7+s3], $0x80, v2, vm0, $0xb8;
	[tilespmem:$0x10300] =	vst v63  }
0xce: {  	s17 =	simm.s32 $0x4  }
0xcf: {  	_ =	swait.ge [sflag:s17], $0x2000  }
0xd0: {  	[sflag:s17] =	ssyncset.done $0x0  }
0xd1: {  	s18 =	rddreg [dreg:$0x8];
	[sflag:s17] =	ssyncadd.s32 $0xFFFFE000  }
0xd2: {  	[hbm4b:s18+s3] =	stream.linear.scatter [tilespmem:s21], [sflag:$0xC], $0x2000, $0x38;
	[tilespmem:$0x10300] =	vst v63  }
0xd3: {  	_ =	swait.ge [sflag:s20], $0x2000  }
0xd4: {  	[sflag:s20] =	ssyncset.done $0x0  }
0xd5: {  	[sflag:s20] =	ssyncadd.s32 $0xFFFFE000  }
0xd6: {  	v2 =	vld.msk [tilespmem:$0x48], $0xff;
	_ =	sdelay $0x4  }
0xd7: {  	v3 =	vshll.u32 v2, $0x3  }
0xd8: {  	v2 =	vand.u32 $0x7, v2;
	v3 =	vand.u32 $0xFFFFFFC0, v3  }
0xd9: {  	v2 =	vor.u32 v2, v3  }
0xda: {  	v2 =	vperm.xlane v2, v0;
	_ =	sdelay $0x1  }
0xdb: {  	v2 =	vadd.s32 v1, v2;
	_ =	sdelay $0x4  }
0xdc: {  	[tilespmem:s25], [sflag:$0x2] =	stream.indirect_vreg.gather [hbm4b:s2+s3], $0x80, v2, vm0, $0xb8;
	[tilespmem:$0x10300] =	vst v63  }
0xdd: {  	s25 =	simm.s32 $0x2B00  }
0xde: {  	[tilespmem:s25], [sflag:$0x2] =	stream.indirect_vreg.gather [hbm4b:s5+s3], $0x80, v2, vm0, $0xb8;
	[tilespmem:$0x10300] =	vst v63  }
0xdf: {  	s29 =	simm.s32 $0x3300  }
0xe0: {  	[tilespmem:s29], [sflag:$0x2] =	stream.indirect_vreg.gather [hbm4b:s6+s3], $0x80, v2, vm0, $0xb8;
	[tilespmem:$0x10300] =	vst v63  }
0xe1: {  	s30 =	simm.s32 $0x3B00  }
0xe2: {  	[tilespmem:s30], [sflag:$0x2] =	stream.indirect_vreg.gather [hbm4b:s7+s3], $0x80, v2, vm0, $0xb8;
	[tilespmem:$0x10300] =	vst v63  }
0xe3: {  	_ =	swait.ge [sflag:s28], $0x2000  }
0xe4: {  	[sflag:s28] =	ssyncset.done $0x0  }
0xe5: {  	s8 =	rddreg [dreg:$0x9];
	[sflag:s28] =	ssyncadd.s32 $0xFFFFE000  }
0xe6: {  	[hbm4b:s8+s3] =	stream.linear.scatter [tilespmem:s16], [sflag:$0xD], $0x2000, $0x38;
	[tilespmem:$0x10300] =	vst v63  }
0xe7: {  	_ =	swait.ge [sflag:s23], $0x2000  }
0xe8: {  	[sflag:s23] =	ssyncset.done $0x0  }
0xe9: {  	[sflag:s23] =	ssyncadd.s32 $0xFFFFE000  }
0xea: {  	v2 =	vld.msk [tilespmem:$0x50], $0xff;
	_ =	sdelay $0x4  }
0xeb: {  	v3 =	vshll.u32 v2, $0x3  }
0xec: {  	v2 =	vand.u32 $0x7, v2;
	v3 =	vand.u32 $0xFFFFFFC0, v3  }
0xed: {  	v2 =	vor.u32 v2, v3  }
0xee: {  	v2 =	vperm.xlane v2, v0;
	_ =	sdelay $0x1  }
0xef: {  	v2 =	vadd.s32 v1, v2;
	_ =	sdelay $0x4  }
0xf0: {  	[tilespmem:s15], [sflag:$0x3] =	stream.indirect_vreg.gather [hbm4b:s2+s3], $0x80, v2, vm0, $0xb8;
	[tilespmem:$0x10300] =	vst v63  }
0xf1: {  	s17 =	simm.s32 $0x4B00  }
0xf2: {  	[tilespmem:s17], [sflag:$0x3] =	stream.indirect_vreg.gather [hbm4b:s5+s3], $0x80, v2, vm0, $0xb8;
	[tilespmem:$0x10300] =	vst v63  }
0xf3: {  	s18 =	simm.s32 $0x5300  }
0xf4: {  	[tilespmem:s18], [sflag:$0x3] =	stream.indirect_vreg.gather [hbm4b:s6+s3], $0x80, v2, vm0, $0xb8;
	[tilespmem:$0x10300] =	vst v63  }
0xf5: {  	s20 =	simm.s32 $0x5B00;
	s23 =	simm.s32 $0x6  }
0xf6: {  	[tilespmem:s20], [sflag:$0x3] =	stream.indirect_vreg.gather [hbm4b:s7+s3], $0x80, v2, vm0, $0xb8;
	[tilespmem:$0x10300] =	vst v63  }
0xf7: {  	_ =	swait.ge [sflag:s23], $0x2000  }
0xf8: {  	[sflag:s23] =	ssyncset.done $0x0  }
0xf9: {  	s29 =	simm.s32 $0xC;
	s25 =	rddreg [dreg:$0xa];
	[sflag:s23] =	ssyncadd.s32 $0xFFFFE000  }
0xfa: {  	[hbm4b:s25+s3] =	stream.linear.scatter [tilespmem:s24], [sflag:$0xE], $0x2000, $0x38;
	[tilespmem:$0x10300] =	vst v63  }
0xfb: {  	_ =	swait.ge [sflag:s29], $0x2000  }
0xfc: {  	[sflag:s29] =	ssyncset.done $0x0  }
0xfd: {  	[sflag:s29] =	ssyncadd.s32 $0xFFFFE000  }
0xfe: {  	v2 =	vld.msk [tilespmem:$0x58], $0xff;
	_ =	sdelay $0x4  }
0xff: {  	v3 =	vshll.u32 v2, $0x3  }
0x100: {  	v2 =	vand.u32 $0x7, v2;
	v3 =	vand.u32 $0xFFFFFFC0, v3  }
0x101: {  	v2 =	vor.u32 v2, v3  }
0x102: {  	v2 =	vperm.xlane v2, v0;
	_ =	sdelay $0x1  }
0x103: {  	v2 =	vadd.s32 v1, v2;
	_ =	sdelay $0x4  }
0x104: {  	[tilespmem:s21], [sflag:$0x4] =	stream.indirect_vreg.gather [hbm4b:s2+s3], $0x80, v2, vm0, $0xb8;
	[tilespmem:$0x10300] =	vst v63  }
0x105: {  	s30 =	simm.s32 $0x6B00  }
0x106: {  	[tilespmem:s30], [sflag:$0x4] =	stream.indirect_vreg.gather [hbm4b:s5+s3], $0x80, v2, vm0, $0xb8;
	[tilespmem:$0x10300] =	vst v63  }
0x107: {  	s8 =	simm.s32 $0x7300  }
0x108: {  	[tilespmem:s8], [sflag:$0x4] =	stream.indirect_vreg.gather [hbm4b:s6+s3], $0x80, v2, vm0, $0xb8;
	[tilespmem:$0x10300] =	vst v63  }
0x109: {  	s15 =	simm.s32 $0x7B00  }
0x10a: {  	[tilespmem:s15], [sflag:$0x4] =	stream.indirect_vreg.gather [hbm4b:s7+s3], $0x80, v2, vm0, $0xb8;
	[tilespmem:$0x10300] =	vst v63  }
0x10b: {  	_ =	swait.ge [sflag:s31], $0x2000  }
0x10c: {  	[sflag:s31] =	ssyncset.done $0x0  }
0x10d: {  	s17 =	rddreg [dreg:$0xb];
	[sflag:s31] =	ssyncadd.s32 $0xFFFFE000  }
0x10e: {  	[hbm4b:s17+s3] =	stream.linear.scatter [tilespmem:s9], [sflag:$0xF], $0x2000, $0x38;
	[tilespmem:$0x10300] =	vst v63  }
0x10f: {  	_ =	swait.ge [sflag:s1], $0x2000  }
0x110: {  	[sflag:s1] =	ssyncset.done $0x0  }
0x111: {  	[sflag:s1] =	ssyncadd.s32 $0xFFFFE000  }
0x112: {  	v2 =	vld.msk [tilespmem:$0x60], $0xff;
	_ =	sdelay $0x4  }
0x113: {  	v3 =	vshll.u32 v2, $0x3  }
0x114: {  	v2 =	vand.u32 $0x7, v2;
	v3 =	vand.u32 $0xFFFFFFC0, v3  }
0x115: {  	v2 =	vor.u32 v2, v3  }
0x116: {  	v2 =	vperm.xlane v2, v0;
	_ =	sdelay $0x1  }
0x117: {  	v2 =	vadd.s32 v1, v2;
	_ =	sdelay $0x4  }
0x118: {  	[tilespmem:s16], [sflag:$0x5] =	stream.indirect_vreg.gather [hbm4b:s2+s3], $0x80, v2, vm0, $0xb8;
	[tilespmem:$0x10300] =	vst v63  }
0x119: {  	s18 =	simm.s32 $0x8B00  }
0x11a: {  	[tilespmem:s18], [sflag:$0x5] =	stream.indirect_vreg.gather [hbm4b:s5+s3], $0x80, v2, vm0, $0xb8;
	[tilespmem:$0x10300] =	vst v63  }
0x11b: {  	s20 =	simm.s32 $0x9300  }
0x11c: {  	[tilespmem:s20], [sflag:$0x5] =	stream.indirect_vreg.gather [hbm4b:s6+s3], $0x80, v2, vm0, $0xb8;
	[tilespmem:$0x10300] =	vst v63  }
0x11d: {  	s21 =	simm.s32 $0x9B00  }
0x11e: {  	[tilespmem:s21], [sflag:$0x5] =	stream.indirect_vreg.gather [hbm4b:s7+s3], $0x80, v2, vm0, $0xb8;
	[tilespmem:$0x10300] =	vst v63  }
0x11f: {  	_ =	swait.ge [sflag:s0], $0x2000  }
0x120: {  	[sflag:s0] =	ssyncset.done $0x0  }
0x121: {  	s23 =	rddreg [dreg:$0xc];
	[sflag:s0] =	ssyncadd.s32 $0xFFFFE000  }
0x122: {  	[hbm4b:s23+s3] =	stream.linear.scatter [tilespmem:s14], [sflag:$0x10], $0x2000, $0x38;
	[tilespmem:$0x10300] =	vst v63  }
0x123: {  	_ =	swait.ge [sflag:s10], $0x2000  }
0x124: {  	[sflag:s10] =	ssyncset.done $0x0  }
0x125: {  	[sflag:s10] =	ssyncadd.s32 $0xFFFFE000  }
0x126: {  	v2 =	vld.msk [tilespmem:$0x68], $0xff;
	_ =	sdelay $0x4  }
0x127: {  	v3 =	vshll.u32 v2, $0x3  }
0x128: {  	v2 =	vand.u32 $0x7, v2;
	v3 =	vand.u32 $0xFFFFFFC0, v3  }
0x129: {  	v2 =	vor.u32 v2, v3  }
0x12a: {  	v2 =	vperm.xlane v2, v0;
	_ =	sdelay $0x1  }
0x12b: {  	v2 =	vadd.s32 v1, v2;
	_ =	sdelay $0x4  }
0x12c: {  	[tilespmem:s24], [sflag:$0x6] =	stream.indirect_vreg.gather [hbm4b:s2+s3], $0x80, v2, vm0, $0xb8;
	[tilespmem:$0x10300] =	vst v63  }
0x12d: {  	s25 =	simm.s32 $0xAB00;
	s29 =	simm.s32 $0xB300;
	s30 =	simm.s32 $0xBB00  }
0x12e: {  	[tilespmem:s25], [sflag:$0x6] =	stream.indirect_vreg.gather [hbm4b:s5+s3], $0x80, v2, vm0, $0xb8;
	[tilespmem:$0x10300] =	vst v63  }
0x12f: {  	s8 =	simm.s32 $0x0;
	s15 =	simm.s32 $0xA8;
	s17 =	simm.s32 $0xAB00  }
0x130: {  	[tilespmem:s29], [sflag:$0x6] =	stream.indirect_vreg.gather [hbm4b:s6+s3], $0x80, v2, vm0, $0xb8;
	[tilespmem:$0x10300] =	vst v63  }
0x131: {  	s18 =	simm.s32 $0xB300;
	s20 =	simm.s32 $0xBB00;
	s23 =	simm.s32 $0xA300  }
0x132: {  	[tilespmem:s30], [sflag:$0x6] =	stream.indirect_vreg.gather [hbm4b:s7+s3], $0x80, v2, vm0, $0xb8;
	[tilespmem:$0x10300] =	vst v63  }
.LBB2_2:
0x133: {  	_ =	swait.ge [sflag:s12], $0x2000  }
0x134: {  	[sflag:s12] =	ssyncset.done $0x0;
	s4 =	rddreg [dreg:$0x13]  }
0x135: {  	s21 =	simm.s32 $0x300;
	[sflag:s12] =	ssyncadd.s32 $0xFFFFE000;
	s24 =	sadd.s32 s8, s4  }
0x136: {  	[hbm4b:s24+s3] =	stream.linear.scatter [tilespmem:s21], [sflag:$0x9], $0x2000, $0x38;
	[tilespmem:$0x10300] =	vst v63  }
0x137: {  	_ =	swait.ge [sflag:s11], $0x2000  }
0x138: {  	[sflag:s11] =	ssyncset.done $0x0  }
0x139: {  	[sflag:s11] =	ssyncadd.s32 $0xFFFFE000  }
0x13a: {  	v2 =	vld.msk [tilespmem:s15+$0xFFFFFFC8], $0xff;
	_ =	sdelay $0x4  }
0x13b: {  	v3 =	vshll.u32 v2, $0x3  }
0x13c: {  	v2 =	vand.u32 $0x7, v2;
	v3 =	vand.u32 $0xFFFFFFC0, v3  }
0x13d: {  	v2 =	vor.u32 v2, v3  }
0x13e: {  	v2 =	vperm.xlane v2, v0;
	_ =	sdelay $0x1  }
0x13f: {  	v2 =	vadd.s32 v1, v2;
	_ =	sdelay $0x4  }
0x140: {  	[tilespmem:s9], [sflag:$0x7] =	stream.indirect_vreg.gather [hbm4b:s2+s3], $0x80, v2, vm0, $0xb8;
	[tilespmem:$0x10300] =	vst v63  }
0x141: {  	s25 =	simm.s32 $0xCB00  }
0x142: {  	[tilespmem:s25], [sflag:$0x7] =	stream.indirect_vreg.gather [hbm4b:s5+s3], $0x80, v2, vm0, $0xb8;
	[tilespmem:$0x10300] =	vst v63  }
0x143: {  	s29 =	simm.s32 $0xD300  }
0x144: {  	[tilespmem:s29], [sflag:$0x7] =	stream.indirect_vreg.gather [hbm4b:s6+s3], $0x80, v2, vm0, $0xb8;
	[tilespmem:$0x10300] =	vst v63  }
0x145: {  	s30 =	simm.s32 $0xDB00  }
0x146: {  	[tilespmem:s30], [sflag:$0x7] =	stream.indirect_vreg.gather [hbm4b:s7+s3], $0x80, v2, vm0, $0xb8;
	[tilespmem:$0x10300] =	vst v63  }
0x147: {  	_ =	swait.ge [sflag:s19], $0x2000  }
0x148: {  	s24 =	sadd.s32 s8, s22;
	[sflag:s19] =	ssyncset.done $0x0  }
0x149: {  	s21 =	simm.s32 $0x2300;
	s25 =	sadd.s32 $0x2400, s24;
	[sflag:s19] =	ssyncadd.s32 $0xFFFFE000  }
0x14a: {  	[hbm4b:s25+s3] =	stream.linear.scatter [tilespmem:s21], [sflag:$0xA], $0x2000, $0x38;
	[tilespmem:$0x10300] =	vst v63  }
0x14b: {  	_ =	swait.ge [sflag:s13], $0x2000  }
0x14c: {  	[sflag:s13] =	ssyncset.done $0x0  }
0x14d: {  	[sflag:s13] =	ssyncadd.s32 $0xFFFFE000  }
0x14e: {  	v2 =	vld.msk [tilespmem:s15+$0xFFFFFFD0], $0xff;
	_ =	sdelay $0x4  }
0x14f: {  	v3 =	vshll.u32 v2, $0x3  }
0x150: {  	v2 =	vand.u32 $0x7, v2;
	v3 =	vand.u32 $0xFFFFFFC0, v3  }
0x151: {  	v2 =	vor.u32 v2, v3  }
0x152: {  	v2 =	vperm.xlane v2, v0;
	_ =	sdelay $0x1  }
0x153: {  	v2 =	vadd.s32 v1, v2;
	_ =	sdelay $0x4  }
0x154: {  	[tilespmem:s14], [sflag:$0x8] =	stream.indirect_vreg.gather [hbm4b:s2+s3], $0x80, v2, vm0, $0xb8;
	[tilespmem:$0x10300] =	vst v63  }
0x155: {  	s25 =	simm.s32 $0xEB00  }
0x156: {  	[tilespmem:s25], [sflag:$0x8] =	stream.indirect_vreg.gather [hbm4b:s5+s3], $0x80, v2, vm0, $0xb8;
	[tilespmem:$0x10300] =	vst v63  }
0x157: {  	s29 =	simm.s32 $0xF300  }
0x158: {  	[tilespmem:s29], [sflag:$0x8] =	stream.indirect_vreg.gather [hbm4b:s6+s3], $0x80, v2, vm0, $0xb8;
	[tilespmem:$0x10300] =	vst v63  }
0x159: {  	s30 =	simm.s32 $0xFB00  }
0x15a: {  	[tilespmem:s30], [sflag:$0x8] =	stream.indirect_vreg.gather [hbm4b:s7+s3], $0x80, v2, vm0, $0xb8;
	[tilespmem:$0x10300] =	vst v63  }
0x15b: {  	_ =	swait.ge [sflag:s26], $0x2000  }
0x15c: {  	p0 =	seq.s32 s8, $0x14000;
	s4 =	sadd.s32 $0x2800, s24;
	[sflag:s26] =	ssyncset.done $0x0  }
0x15d: {  	s21 =	simm.s32 $0x4300;
	s25 =	simm.s32 @p0 $0x4;
	[sflag:s26] =	ssyncadd.s32 $0xFFFFE000  }
0x15e: {  	[hbm4b:s4+s3] =	stream.linear.scatter [tilespmem:s21], [sflag:$0xB], $0x2000, $0x38;
	[tilespmem:$0x10300] =	vst v63  }
0x15f: {  	_ =	swait.ge @p0 [sflag:s25], $0x2000  }
0x160: {  	s29 =	simm.s32 @p0 $0x0;
	[sflag:s25] =	ssyncset.done @p0 $0x0  }
0x161: {  	s4 =	rddreg [dreg:$0x10];
	[sflag:s25] =	ssyncadd.s32 @p0 $0xFFFFE000;
	s25 =	simm.s32 @p0 $0x6300  }
0x162: {  	[hbm4b:s4+s29] =	stream.linear.scatter @p0 [tilespmem:s25], [sflag:$0xC], $0x2000, $0x38;
	[tilespmem:$0x10300] =	vst v63  }
0x163: {  	s25 =	simm.s32 @!p0 $0x9  }
0x164: {  	_ =	swait.ge @!p0 [sflag:s25], $0x2000  }
0x165: {  	[sflag:s25] =	ssyncset.done @!p0 $0x0  }
0x166: {  	[sflag:s25] =	ssyncadd.s32 @!p0 $0xFFFFE000  }
0x167: {  	v2 =	vld.msk @!p0 [tilespmem:s15+$0xFFFFFFD8], $0xff;
	_ =	sdelay $0x4  }
0x168: {  	v3 =	vshll.u32 @!p0 v2, $0x3  }
0x169: {  	v4 =	vlaneseq.u32 @!p0;
	v2 =	vand.u32 @!p0 $0x7, v2;
	v3 =	vand.u32 @!p0 $0xFFFFFFC0, v3  }
0x16a: {  	v2 =	vor.u32 @!p0 v2, v3;
	v3 =	vand.u32 @!p0 $0x7, v4;
	v4 =	vshrl.u32 @!p0 v4, $0x3  }
0x16b: {  	v2 =	vperm.xlane @!p0 v2, v3;
	v4 =	vmul.u32 @!p0 $0x8, v4;
	_ =	sdelay $0x1  }
0x16c: {  	v2 =	vadd.s32 @!p0 v4, v2;
	_ =	sdelay $0x3  }
0x16d: {  	vm1 =	vmmov @!p0 $0xffff;
	s30 =	simm.s32 @!p0 $0x300;
	s25 =	simm.s32 @!p0 $0x0  }
0x16e: {  	[tilespmem:s30], [sflag:$0x1] =	stream.indirect_vreg.gather @!p0 [hbm4b:s2+s25], $0x80, v2, vm1, $0xb8;
	[tilespmem:$0x10300] =	vst v63  }
0x16f: {  	s30 =	simm.s32 @!p0 $0xB00  }
0x170: {  	[tilespmem:s30], [sflag:$0x1] =	stream.indirect_vreg.gather @!p0 [hbm4b:s5+s25], $0x80, v2, vm1, $0xb8;
	[tilespmem:$0x10300] =	vst v63  }
0x171: {  	s30 =	simm.s32 @!p0 $0x1300  }
0x172: {  	[tilespmem:s30], [sflag:$0x1] =	stream.indirect_vreg.gather @!p0 [hbm4b:s6+s25], $0x80, v2, vm1, $0xb8;
	[tilespmem:$0x10300] =	vst v63  }
0x173: {  	s30 =	simm.s32 @!p0 $0x1B00  }
0x174: {  	[tilespmem:s30], [sflag:$0x1] =	stream.indirect_vreg.gather @!p0 [hbm4b:s7+s25], $0x80, v2, vm1, $0xb8;
	[tilespmem:$0x10300] =	vst v63  }
0x175: {  	s30 =	simm.s32 @!p0 $0x4  }
0x176: {  	_ =	swait.ge @!p0 [sflag:s30], $0x2000  }
0x177: {  	s4 =	sadd.s32 @!p0 s8, s22;
	[sflag:s30] =	ssyncset.done @!p0 $0x0  }
0x178: {  	s21 =	sadd.s32 @!p0 $0x2C00, s4;
	[sflag:s30] =	ssyncadd.s32 @!p0 $0xFFFFE000;
	s30 =	simm.s32 @!p0 $0x6300  }
0x179: {  	[hbm4b:s21+s25] =	stream.linear.scatter @!p0 [tilespmem:s30], [sflag:$0xC], $0x2000, $0x38;
	[tilespmem:$0x10300] =	vst v63  }
0x17a: {  	s21 =	simm.s32 @!p0 $0xA  }
0x17b: {  	_ =	swait.ge @!p0 [sflag:s21], $0x2000  }
0x17c: {  	[sflag:s21] =	ssyncset.done @!p0 $0x0  }
0x17d: {  	[sflag:s21] =	ssyncadd.s32 @!p0 $0xFFFFE000  }
0x17e: {  	v2 =	vld.msk @!p0 [tilespmem:s15+$0xFFFFFFE0], $0xff;
	_ =	sdelay $0x4  }
0x17f: {  	v5 =	vshll.u32 @!p0 v2, $0x3  }
0x180: {  	v2 =	vand.u32 @!p0 $0x7, v2;
	v5 =	vand.u32 @!p0 $0xFFFFFFC0, v5  }
0x181: {  	v2 =	vor.u32 @!p0 v2, v5  }
0x182: {  	v2 =	vperm.xlane @!p0 v2, v3;
	_ =	sdelay $0x1  }
0x183: {  	v2 =	vadd.s32 @!p0 v4, v2;
	_ =	sdelay $0x3  }
0x184: {  	s21 =	simm.s32 @!p0 $0x2300  }
0x185: {  	[tilespmem:s21], [sflag:$0x2] =	stream.indirect_vreg.gather @!p0 [hbm4b:s2+s25], $0x80, v2, vm1, $0xb8;
	[tilespmem:$0x10300] =	vst v63  }
0x186: {  	s21 =	simm.s32 @!p0 $0x2B00  }
0x187: {  	[tilespmem:s21], [sflag:$0x2] =	stream.indirect_vreg.gather @!p0 [hbm4b:s5+s25], $0x80, v2, vm1, $0xb8;
	[tilespmem:$0x10300] =	vst v63  }
0x188: {  	s21 =	simm.s32 @!p0 $0x3300  }
0x189: {  	[tilespmem:s21], [sflag:$0x2] =	stream.indirect_vreg.gather @!p0 [hbm4b:s6+s25], $0x80, v2, vm1, $0xb8;
	[tilespmem:$0x10300] =	vst v63  }
0x18a: {  	s21 =	simm.s32 @!p0 $0x3B00  }
0x18b: {  	[tilespmem:s21], [sflag:$0x2] =	stream.indirect_vreg.gather @!p0 [hbm4b:s7+s25], $0x80, v2, vm1, $0xb8;
	[tilespmem:$0x10300] =	vst v63  }
0x18c: {  	_ =	swait.ge [sflag:s28], $0x2000  }
0x18d: {  	[sflag:s28] =	ssyncset.done $0x0  }
0x18e: {  	s24 =	sadd.s32 $0x3000, s24;
	s21 =	simm.s32 @p0 $0x6;
	[sflag:s28] =	ssyncadd.s32 $0xFFFFE000  }
0x18f: {  	[hbm4b:s24+s3] =	stream.linear.scatter [tilespmem:s16], [sflag:$0xD], $0x2000, $0x38;
	[tilespmem:$0x10300] =	vst v63  }
0x190: {  	_ =	swait.ge @p0 [sflag:s21], $0x2000  }
0x191: {  	[sflag:s21] =	ssyncset.done @p0 $0x0  }
0x192: {  	s24 =	rddreg [dreg:$0x11];
	[sflag:s21] =	ssyncadd.s32 @p0 $0xFFFFE000;
	s21 =	simm.s32 @p0 $0xA300  }
0x193: {  	[hbm4b:s24+s29] =	stream.linear.scatter @p0 [tilespmem:s21], [sflag:$0xE], $0x2000, $0x38;
	[tilespmem:$0x10300] =	vst v63  }
0x194: {  	s21 =	simm.s32 @!p0 $0xB  }
0x195: {  	_ =	swait.ge @!p0 [sflag:s21], $0x2000  }
0x196: {  	[sflag:s21] =	ssyncset.done @!p0 $0x0  }
0x197: {  	[sflag:s21] =	ssyncadd.s32 @!p0 $0xFFFFE000  }
0x198: {  	v2 =	vld.msk @!p0 [tilespmem:s15+$0xFFFFFFE8], $0xff;
	_ =	sdelay $0x4  }
0x199: {  	v5 =	vshll.u32 @!p0 v2, $0x3  }
0x19a: {  	v2 =	vand.u32 @!p0 $0x7, v2;
	v5 =	vand.u32 @!p0 $0xFFFFFFC0, v5  }
0x19b: {  	v2 =	vor.u32 @!p0 v2, v5  }
0x19c: {  	v2 =	vperm.xlane @!p0 v2, v3;
	_ =	sdelay $0x1  }
0x19d: {  	v2 =	vadd.s32 @!p0 v4, v2;
	_ =	sdelay $0x3  }
0x19e: {  	s21 =	simm.s32 @!p0 $0x4300  }
0x19f: {  	[tilespmem:s21], [sflag:$0x3] =	stream.indirect_vreg.gather @!p0 [hbm4b:s2+s25], $0x80, v2, vm1, $0xb8;
	[tilespmem:$0x10300] =	vst v63  }
0x1a0: {  	s21 =	simm.s32 @!p0 $0x4B00  }
0x1a1: {  	[tilespmem:s21], [sflag:$0x3] =	stream.indirect_vreg.gather @!p0 [hbm4b:s5+s25], $0x80, v2, vm1, $0xb8;
	[tilespmem:$0x10300] =	vst v63  }
0x1a2: {  	s21 =	simm.s32 @!p0 $0x5300  }
0x1a3: {  	[tilespmem:s21], [sflag:$0x3] =	stream.indirect_vreg.gather @!p0 [hbm4b:s6+s25], $0x80, v2, vm1, $0xb8;
	[tilespmem:$0x10300] =	vst v63  }
0x1a4: {  	s21 =	simm.s32 @!p0 $0x5B00  }
0x1a5: {  	[tilespmem:s21], [sflag:$0x3] =	stream.indirect_vreg.gather @!p0 [hbm4b:s7+s25], $0x80, v2, vm1, $0xb8;
	[tilespmem:$0x10300] =	vst v63  }
0x1a6: {  	s21 =	simm.s32 @!p0 $0x6  }
0x1a7: {  	_ =	swait.ge @!p0 [sflag:s21], $0x2000  }
0x1a8: {  	[sflag:s21] =	ssyncset.done @!p0 $0x0  }
0x1a9: {  	s4 =	sadd.s32 @!p0 $0x3400, s4;
	[sflag:s21] =	ssyncadd.s32 @!p0 $0xFFFFE000;
	s21 =	simm.s32 @!p0 $0xA300  }
0x1aa: {  	[hbm4b:s4+s25] =	stream.linear.scatter @!p0 [tilespmem:s21], [sflag:$0xE], $0x2000, $0x38;
	[tilespmem:$0x10300] =	vst v63  }
0x1ab: {  	s4 =	simm.s32 @!p0 $0xC  }
0x1ac: {  	_ =	swait.ge @!p0 [sflag:s4], $0x2000  }
0x1ad: {  	[sflag:s4] =	ssyncset.done @!p0 $0x0  }
0x1ae: {  	[sflag:s4] =	ssyncadd.s32 @!p0 $0xFFFFE000  }
0x1af: {  	v2 =	vld.msk @!p0 [tilespmem:s15+$0xFFFFFFF0], $0xff;
	_ =	sdelay $0x4  }
0x1b0: {  	v5 =	vshll.u32 @!p0 v2, $0x3  }
0x1b1: {  	v2 =	vand.u32 @!p0 $0x7, v2;
	v5 =	vand.u32 @!p0 $0xFFFFFFC0, v5  }
0x1b2: {  	v2 =	vor.u32 @!p0 v2, v5  }
0x1b3: {  	v2 =	vperm.xlane @!p0 v2, v3;
	_ =	sdelay $0x1  }
0x1b4: {  	v2 =	vadd.s32 @!p0 v4, v2;
	_ =	sdelay $0x4  }
0x1b5: {  	[tilespmem:s30], [sflag:$0x4] =	stream.indirect_vreg.gather @!p0 [hbm4b:s2+s25], $0x80, v2, vm1, $0xb8;
	[tilespmem:$0x10300] =	vst v63  }
0x1b6: {  	s4 =	simm.s32 @!p0 $0x6B00  }
0x1b7: {  	[tilespmem:s4], [sflag:$0x4] =	stream.indirect_vreg.gather @!p0 [hbm4b:s5+s25], $0x80, v2, vm1, $0xb8;
	[tilespmem:$0x10300] =	vst v63  }
0x1b8: {  	s4 =	simm.s32 @!p0 $0x7300  }
0x1b9: {  	[tilespmem:s4], [sflag:$0x4] =	stream.indirect_vreg.gather @!p0 [hbm4b:s6+s25], $0x80, v2, vm1, $0xb8;
	[tilespmem:$0x10300] =	vst v63  }
0x1ba: {  	s4 =	simm.s32 @!p0 $0x7B00  }
0x1bb: {  	[tilespmem:s4], [sflag:$0x4] =	stream.indirect_vreg.gather @!p0 [hbm4b:s7+s25], $0x80, v2, vm1, $0xb8;
	[tilespmem:$0x10300] =	vst v63  }
.Ltmp2:
0x1bc: {  	_ = 	snop;
	(pc) =	sbr.rel @p0 .LBB2_4-.Ltmp2, $4  }
0x1bd: {  	_ =	swait.ge [sflag:s31], $0x2000  }
0x1be: {  	[sflag:s31] =	ssyncset.done $0x0;
	s30 =	rddreg [dreg:$0x12]  }
0x1bf: {  	[sflag:s31] =	ssyncadd.s32 $0xFFFFE000;
	s4 =	sadd.s32 s8, s30  }
0x1c0: {  	[hbm4b:s4+s3] =	stream.linear.scatter [tilespmem:s9], [sflag:$0xF], $0x2000, $0x38;
	[tilespmem:$0x10300] =	vst v63  }
0x1c1: {  	_ =	swait.ge [sflag:s1], $0x2000  }
0x1c2: {  	[sflag:s1] =	ssyncset.done $0x0  }
0x1c3: {  	[sflag:s1] =	ssyncadd.s32 $0xFFFFE000  }
0x1c4: {  	v2 =	vld.msk [tilespmem:s15+$0xFFFFFFF8], $0xff;
	_ =	sdelay $0x4  }
0x1c5: {  	v3 =	vshll.u32 v2, $0x3  }
0x1c6: {  	v2 =	vand.u32 $0x7, v2;
	v3 =	vand.u32 $0xFFFFFFC0, v3  }
0x1c7: {  	v2 =	vor.u32 v2, v3  }
0x1c8: {  	v2 =	vperm.xlane v2, v0;
	_ =	sdelay $0x1  }
0x1c9: {  	v2 =	vadd.s32 v1, v2;
	_ =	sdelay $0x4  }
0x1ca: {  	[tilespmem:s16], [sflag:$0x5] =	stream.indirect_vreg.gather [hbm4b:s2+s3], $0x80, v2, vm0, $0xb8;
	[tilespmem:$0x10300] =	vst v63  }
0x1cb: {  	s4 =	simm.s32 $0x8B00  }
0x1cc: {  	[tilespmem:s4], [sflag:$0x5] =	stream.indirect_vreg.gather [hbm4b:s5+s3], $0x80, v2, vm0, $0xb8;
	[tilespmem:$0x10300] =	vst v63  }
0x1cd: {  	s25 =	simm.s32 $0x9300  }
0x1ce: {  	[tilespmem:s25], [sflag:$0x5] =	stream.indirect_vreg.gather [hbm4b:s6+s3], $0x80, v2, vm0, $0xb8;
	[tilespmem:$0x10300] =	vst v63  }
0x1cf: {  	s29 =	simm.s32 $0x9B00  }
0x1d0: {  	[tilespmem:s29], [sflag:$0x5] =	stream.indirect_vreg.gather [hbm4b:s7+s3], $0x80, v2, vm0, $0xb8;
	[tilespmem:$0x10300] =	vst v63  }
0x1d1: {  	_ =	swait.ge [sflag:s0], $0x2000  }
0x1d2: {  	[sflag:s0] =	ssyncset.done $0x0;
	s30 =	rddreg [dreg:$0xf]  }
0x1d3: {  	[sflag:s0] =	ssyncadd.s32 $0xFFFFE000;
	s4 =	sadd.s32 s8, s30  }
0x1d4: {  	[hbm4b:s4+s3] =	stream.linear.scatter [tilespmem:s14], [sflag:$0x10], $0x2000, $0x38;
	[tilespmem:$0x10300] =	vst v63  }
0x1d5: {  	_ =	swait.ge [sflag:s10], $0x2000  }
0x1d6: {  	[sflag:s10] =	ssyncset.done $0x0  }
0x1d7: {  	[sflag:s10] =	ssyncadd.s32 $0xFFFFE000  }
0x1d8: {  	v2 =	vld.msk [tilespmem:s15+$0x0], $0xff;
	_ =	sdelay $0x4  }
0x1d9: {  	v3 =	vshll.u32 v2, $0x3  }
0x1da: {  	v2 =	vand.u32 $0x7, v2;
	v3 =	vand.u32 $0xFFFFFFC0, v3  }
0x1db: {  	v2 =	vor.u32 v2, v3  }
0x1dc: {  	v2 =	vperm.xlane v2, v0;
	_ =	sdelay $0x1  }
0x1dd: {  	v2 =	vadd.s32 v1, v2;
	_ =	sdelay $0x4  }
0x1de: {  	[tilespmem:s23], [sflag:$0x6] =	stream.indirect_vreg.gather [hbm4b:s2+s3], $0x80, v2, vm0, $0xb8;
	[tilespmem:$0x10300] =	vst v63  }
0x1df: {  	_ = 	snop  }
0x1e0: {  	[tilespmem:s17], [sflag:$0x6] =	stream.indirect_vreg.gather [hbm4b:s5+s3], $0x80, v2, vm0, $0xb8;
	[tilespmem:$0x10300] =	vst v63  }
.Ltmp3:
0x1e1: {  	_ = 	snop;
	(pc) =	sbr.rel .LBB2_2-.Ltmp3, $4  }
0x1e2: {  	_ = 	snop  }
0x1e3: {  	[tilespmem:s18], [sflag:$0x6] =	stream.indirect_vreg.gather [hbm4b:s6+s3], $0x80, v2, vm0, $0xb8;
	[tilespmem:$0x10300] =	vst v63  }
0x1e4: {  	s8 =	sadd.s32 $0x2000, s8;
	s15 =	sadd.s32 $0x40, s15  }
0x1e5: {  	[tilespmem:s20], [sflag:$0x6] =	stream.indirect_vreg.gather [hbm4b:s7+s3], $0x80, v2, vm0, $0xb8;
	[tilespmem:$0x10300] =	vst v63  }
.LBB2_5:
0x1e6: {  	_ =	sfence.sel $0x180000  }
0x1e7: {  	[bflag:$0x0] =	sbarrier.arrive $0xFFFF  }
0x1e8: {  	_ =	strace $0x90000047  }
0x1e9: {  	s0 =	stileid.u32;
	[bflag:$0x2] =	sbarrier.arrive $0xFFFF  }
0x1ea: {  	p0 =	sne.s32 s0, $0x0;
	s0 =	rddreg [dreg:$0x3]  }
0x1eb: {  	s0 =	sadd.s32 @!p0 $0x100000, s0  }
0x1ec: {  	[sflag:s0] =	ssyncadd.tile.s32 @!p0 $0x1;
	_ =	shalt  }
.Lfunc_end2:
_tile_overlayer_lowered:
.L_overlay_start_2:
0x1ed: {  	(tag) =	ssettag $0x2  }
0x1ee: {  	s0 =	rddreg [dreg:$0x0];
	s2 =	stileid.u32  }
0x1ef: {  	s1 =	rddreg [dreg:$0x1];
	p0 =	sne.s32 s2, $0x0  }
0x1f0: {  	s3 =	rddreg [dreg:$0x2];
	[bflag:$0x3] =	sbarrier.arrive $0xFFFF;
	s2 =	simm.s32 @!p0 $0x1C11  }
0x1f1: {  	[timem:s3], [sflag:s2] =	dma.local @!p0 [hbm:s0], s1  }
0x1f2: {  	s0 =	simm.s32 @!p0 $0x11  }
0x1f3: {  	_ =	swait.ge @!p0 [sflag:s0], s1  }
0x1f4: {  	s1 =	ssub.s32 @!p0 $0x0, s1;
	[sflag:s0] =	ssyncset.done @!p0 $0x0  }
0x1f5: {  	[sflag:s0] =	ssyncadd.s32 @!p0 s1  }
0x1f6: {  	[bflag:$0x3] =	sbarrier.arrive $0xFFFF  }
0x1f7: {  	_ =	shalt  }

</sc_bundles>
